<compile_context>
chip_gen: v7x
topology: tpu7x:2x2x1
jax: 0.10.2.dev20260603
libtpu: 0.0.44.dev20260713+nightly
codegen_flags: <defaults>
</compile_context>

<pallas_src>
import functools

import jax
import jax.numpy as jnp
from jax import lax
from jax.experimental import pallas as pl
from jax.experimental.pallas import tpu as pltpu
from jax.experimental.pallas import tpu_sc as plsc

V = 5000
T = 50
TP = 64
B = 32
D = 768
EN = 200000
TV = 56
NPAIR = TV * T
NCHUNK = 25
CHW = 112

_SC_PARAMS = pltpu.CompilerParams(needs_layout_passes=False,
                                  use_tc_tiling_on_sc=False)


def _worker_id():
    return lax.axis_index("s") * 2 + lax.axis_index("c")


def _sc_h_body(tpad_hbm, nt_hbm, h_hbm, t_v, hbuf_v, sem):
    b = _worker_id()
    pltpu.sync_copy(tpad_hbm.at[b], t_v)
    pltpu.async_copy(nt_hbm.at[t_v], hbuf_v, sem).wait()
    pltpu.sync_copy(hbuf_v, h_hbm.at[pl.ds(b * TP, TP)])


def _sc_w_body(tpad_hbm, em_hbm, ew_hbm, w_hbm,
               t_v, pidx_v, eid_v, wbuf_v, semE, semW):
    b = _worker_id()
    pltpu.sync_copy(tpad_hbm.at[b], t_v)

    iota16 = lax.iota(jnp.int32, 16)

    def build_fire(k, carry):
        for m in range(7):
            i = k * CHW + m * 16 + iota16
            v = (i * 1311) >> 16
            u = i - v * 50
            tu = plsc.load_gather(t_v, [u])
            tv = plsc.load_gather(t_v, [v])
            pidx_v[k, pl.ds(m * 16, 16)] = tu * V + tv
        pltpu.async_copy(em_hbm.at[pidx_v.at[k]], eid_v.at[k], semE)
        return carry

    lax.fori_loop(0, NCHUNK, build_fire, 0)

    def drain_fire(k, carry):
        pltpu.make_async_copy(em_hbm.at[pidx_v.at[k]], eid_v.at[k],
                              semE).wait()
        pltpu.async_copy(ew_hbm.at[eid_v.at[k]], wbuf_v.at[k], semW)
        return carry

    lax.fori_loop(0, NCHUNK, drain_fire, 0)

    def drain_w(k, carry):
        pltpu.make_async_copy(ew_hbm.at[eid_v.at[k]], wbuf_v.at[k],
                              semW).wait()
        return carry

    lax.fori_loop(0, NCHUNK, drain_w, 0)

    pltpu.sync_copy(wbuf_v, w_hbm.at[b])


@functools.cache
def _make_sc_kernels():
  mesh = plsc.VectorSubcoreMesh(core_axis_name="c", subcore_axis_name="s")
  sc_h = functools.partial(
    pl.kernel,
    out_type=jax.ShapeDtypeStruct((B * TP, D), jnp.float32),
    mesh=mesh,
    compiler_params=_SC_PARAMS,
    scratch_types=[
        pltpu.VMEM((TP,), jnp.int32),
        pltpu.VMEM((TP, D), jnp.float32),
        pltpu.SemaphoreType.DMA,
    ],
  )(_sc_h_body)
  sc_w = functools.partial(
    pl.kernel,
    out_type=jax.ShapeDtypeStruct((B, NCHUNK, CHW), jnp.float32),
    mesh=mesh,
    compiler_params=_SC_PARAMS,
    scratch_types=[
        pltpu.VMEM((TP,), jnp.int32),
        pltpu.VMEM((NCHUNK, CHW), jnp.int32),
        pltpu.VMEM((NCHUNK, CHW), jnp.int32),
        pltpu.VMEM((NCHUNK, CHW), jnp.float32),
        pltpu.SemaphoreType.DMA,
        pltpu.SemaphoreType.DMA,
    ],
  )(_sc_w_body)
  return sc_h, sc_w


def _tc_body(trow_ref, tcol_ref, h_ref, wt_ref, eta_ref, W1_ref, b1_ref,
             o_ref):
    trow = trow_ref[0]
    tcol = tcol_ref[0]
    eq = tcol == trow
    isub = lax.broadcasted_iota(jnp.int32, (TP, TP), 0)
    ilane = lax.broadcasted_iota(jnp.int32, (TP, TP), 1)
    one = jnp.ones((TP, TP), jnp.float32)
    zero = jnp.zeros((TP, TP), jnp.float32)
    dupc = jnp.sum(jnp.where(eq & (ilane < isub), one, zero), axis=1,
                   keepdims=True)
    valid_col = (dupc == 0.0) & (tcol != 0)
    dupr = jnp.sum(jnp.where(eq & (isub < ilane), one, zero), axis=0,
                   keepdims=True)
    valid_row = (dupr == 0.0) & (trow != 0)

    h = h_ref[0]
    wt = wt_ref[0]
    hm = jnp.where(valid_col, h, -1e30)
    wtm = jnp.where(valid_row[:, :T], wt, 1.0)

    h_after = jnp.full((TV, D), -1e30, jnp.float32)
    for u in range(T):
        cand = wtm[:, u:u + 1] * hm[u:u + 1, :]
        h_after = jnp.maximum(h_after, cand)

    eta = eta_ref[...]
    new_h = eta * h[:TV, :] + (1.0 - eta) * h_after
    vcf = jnp.where(valid_col[:TV, :], 1.0, 0.0)
    cnt = jnp.maximum(jnp.sum(jnp.where(valid_row, 1.0, 0.0)), 1.0)
    g = jnp.sum(new_h * vcf, axis=0, keepdims=True) / cnt

    z = lax.dot_general(g, W1_ref[...], (((1,), (1,)), ((), ())),
                        preferred_element_type=jnp.float32) + b1_ref[...]
    o_ref[0] = 1.0 / (1.0 + jnp.exp(-z))


def kernel(token_ids, node_table, edge_weights, edge_matrix, node_eta,
           W1, b1):
    t32 = token_ids.astype(jnp.int32)
    tpad = jnp.zeros((B, TP), jnp.int32).at[:, :T].set(t32)
    em_flat = edge_matrix.reshape(V * V)
    ew_flat = edge_weights.reshape(EN)

    sc_h, sc_w = _make_sc_kernels()
    h_flat = sc_h(tpad, node_table)
    w_raw = sc_w(tpad, em_flat, ew_flat)

    h3 = h_flat.reshape(B, TP, D)
    wt3 = w_raw.reshape(B, TV, T)
    trow = tpad.reshape(B, 1, TP)
    tcol = tpad.reshape(B, TP, 1)
    eta2 = node_eta.reshape(1, 1)
    b12 = b1.reshape(1, D)

    out3 = pl.pallas_call(
        _tc_body,
        grid=(B,),
        in_specs=[
            pl.BlockSpec((1, 1, TP), lambda b: (b, 0, 0)),
            pl.BlockSpec((1, TP, 1), lambda b: (b, 0, 0)),
            pl.BlockSpec((1, TP, D), lambda b: (b, 0, 0)),
            pl.BlockSpec((1, TV, T), lambda b: (b, 0, 0)),
            pl.BlockSpec((1, 1), lambda b: (0, 0)),
            pl.BlockSpec((D, D), lambda b: (0, 0)),
            pl.BlockSpec((1, D), lambda b: (0, 0)),
        ],
        out_specs=pl.BlockSpec((1, 1, D), lambda b: (b, 0, 0)),
        out_shape=jax.ShapeDtypeStruct((B, 1, D), jnp.float32),
    )(trow, tcol, h3, wt3, eta2, W1, b12)

    return out3.reshape(B, D)

# --- scband reference (transcript-rebuilt; emitter-appended) ---
"""Pipeline reference for scband-skeafn-7052336300300 (READ-ONLY COPY).

The authoritative reference and input builder live on the scoring server;
editing this copy changes nothing except your own understanding.
"""

import jax, jax.numpy as jnp
import numpy as np

V = 5000      # sentiment-word vocab size
T = 50        # padded token length per sample (hist_len-style)
B = 32        # batch size
D = 768       # node_hidden_size (matches Linear(768,768))
EN = 200000   # number of distinct edge weights (edge_number)


def setup_inputs(seed: int = 0) -> dict:
    key = jax.random.key(seed)
    k1, k2, k3, k4, k5 = jax.random.split(key, 5)
    token_ids = jax.random.randint(k1, (B, T), 0, V, dtype=jnp.int64)
    node_table = jax.random.normal(k2, (V, D), dtype=jnp.float32) * 0.02
    edge_weights = jax.random.uniform(k3, (EN, 1), dtype=jnp.float32)
    edge_matrix = jax.random.randint(k4, (V, V), 0, EN, dtype=jnp.int32)
    node_eta = jnp.zeros((1,), dtype=jnp.float32)  # data.fill_(0)
    kW, kb = jax.random.split(k5)
    W1 = jax.random.normal(kW, (D, D), dtype=jnp.float32) * 0.02
    b1 = jnp.zeros((D,), dtype=jnp.float32)
    return {
        "token_ids": token_ids,
        "node_table": node_table,
        "edge_weights": edge_weights,
        "edge_matrix": edge_matrix,
        "node_eta": node_eta,
        "W1": W1,
        "b1": b1,
    }


def reference(token_ids, node_table, edge_weights, edge_matrix, node_eta, W1, b1):
    # TextGNN.forward: per-sample complete graph over the unique non-zero
    # tokens; message = h_src * w(edge), reduce = max over incoming edges;
    # new_h = eta*h_before + (1-eta)*h_after; graph emb = mean over nodes;
    # then Linear(768,768) -> sigmoid -> dropout(eval=identity).
    def per_sample(t):
        # dedup (set(token_id)) via first-occurrence mask; drop token 0
        eq = t[:, None] == t[None, :]
        dup = jnp.tril(eq, -1).sum(axis=1) > 0
        valid = (~dup) & (t != 0)
        h = node_table[t]                                      # [T, D] gather
        eids = edge_matrix[t[:, None], t[None, :]]             # [T, T] gather
        w = edge_weights[eids][..., 0]                         # [T, T] gather
        # msg[u, v, :] = h[u] * w[u, v]  (src_mul_edge)
        msg = h[:, None, :] * w[:, :, None]                    # [T, T, D]
        msg = jnp.where(valid[:, None, None], msg, -jnp.inf)   # mask src
        h_after = msg.max(axis=0)                              # max reduce at dst
        eta = node_eta[0]
        new_h = eta * h + (1.0 - eta) * h_after
        cnt = jnp.maximum(valid.sum(), 1)
        g = (new_h * valid[:, None].astype(new_h.dtype)).sum(axis=0) / cnt
        return g

    G = jax.vmap(per_sample)(token_ids)                        # [B, D]
    out = jax.nn.sigmoid(G @ W1.T + b1)                        # Linear + Sigmoid
    # Dropout is identity in eval mode
    return out

if __name__ == "__main__":
    import jax
    _d = setup_inputs()
    print(jax.jit(kernel)(*tuple(_d.values())))

</pallas_src>

<mosaic_0001>
#map = affine_map<(d0, d1) -> (0, 0)>
#map1 = affine_map<(d0, d1) -> (0)>
#map2 = affine_map<(d0, d1) -> (0, 0, 0)>
module attributes {stable_mosaic.version = 14 : i64} {
  func.func @_sc_w_body(%arg0: i32, %arg1: i32, %arg2: memref<32x64xi32, #tpu.memory_space<hbm>>, %arg3: memref<25000000xi32, #tpu.memory_space<hbm>>, %arg4: memref<200000xf32, #tpu.memory_space<hbm>>, %arg5: memref<32x25x112xf32, #tpu.memory_space<hbm>>, %arg6: memref<64xi32, #tpu.memory_space<vmem>>, %arg7: memref<25x112xi32, #tpu.memory_space<vmem>>, %arg8: memref<25x112xi32, #tpu.memory_space<vmem>>, %arg9: memref<25x112xf32, #tpu.memory_space<vmem>>, %arg10: memref<!tpu.dma_semaphore, #tpu.memory_space<semaphore_mem>>, %arg11: memref<!tpu.dma_semaphore, #tpu.memory_space<semaphore_mem>>) attributes {dimension_semantics = [#tpu.dimension_semantics<core_parallel>, #tpu.dimension_semantics<subcore_parallel>], iteration_bounds = array<i64: 2, 16>, scalar_prefetch = 0 : i64, scratch_operands = 6 : i64, tpu.core_type = #tpu.core_type<sc_vector_subcore>, window_params = [{transform_indices = #map}, {transform_indices = #map1}, {transform_indices = #map1}, {transform_indices = #map2}]} {
    %mul3A = arith.constant 2 : i32
    %mul3A_0 = arith.muli %arg1, %mul3A : i32
    %add3A = arith.addi %mul3A_0, %arg0 : i32
    "tpu.region"() ({
      %run_scoped3A = tpu.sem_alloc : memref<!tpu.dma_semaphore, #tpu.memory_space<semaphore_mem>>
      %dma_start3A = arith.constant 0 : i32
      %dma_start3A_18 = tpu.memref_slice %arg2[%add3A, %dma_start3A] : memref<32x64xi32, #tpu.memory_space<hbm>> -> memref<1x64xi32, #tpu.memory_space<hbm>>
      %dma_start3A_19 = tpu.memref_squeeze %dma_start3A_18 : memref<1x64xi32, #tpu.memory_space<hbm>> -> memref<64xi32, #tpu.memory_space<hbm>>
      %dma_start3A_20 = arith.constant 0 : i32
      %dma_start3A_21 = tpu.memref_slice %arg2[%add3A, %dma_start3A_20] : memref<32x64xi32, #tpu.memory_space<hbm>> -> memref<1x64xi32, #tpu.memory_space<hbm>>
      %dma_start3A_22 = tpu.memref_squeeze %dma_start3A_21 : memref<1x64xi32, #tpu.memory_space<hbm>> -> memref<64xi32, #tpu.memory_space<hbm>>
      tpu.enqueue_dma source(%dma_start3A_22 : memref<64xi32, #tpu.memory_space<hbm>>) target(%arg6 : memref<64xi32, #tpu.memory_space<vmem>>) target_semaphore(%run_scoped3A : memref<!tpu.dma_semaphore, #tpu.memory_space<semaphore_mem>>)
      %dma_wait3A = arith.constant 0 : i32
      %dma_wait3A_23 = tpu.memref_slice %arg2[%add3A, %dma_wait3A] : memref<32x64xi32, #tpu.memory_space<hbm>> -> memref<1x64xi32, #tpu.memory_space<hbm>>
      %dma_wait3A_24 = tpu.memref_squeeze %dma_wait3A_23 : memref<1x64xi32, #tpu.memory_space<hbm>> -> memref<64xi32, #tpu.memory_space<hbm>>
      %dma_wait3A_25 = arith.constant 0 : i32
      %dma_wait3A_26 = tpu.memref_slice %arg2[%add3A, %dma_wait3A_25] : memref<32x64xi32, #tpu.memory_space<hbm>> -> memref<1x64xi32, #tpu.memory_space<hbm>>
      %dma_wait3A_27 = tpu.memref_squeeze %dma_wait3A_26 : memref<1x64xi32, #tpu.memory_space<hbm>> -> memref<64xi32, #tpu.memory_space<hbm>>
      tpu.wait_dma2 semaphore(%run_scoped3A : memref<!tpu.dma_semaphore, #tpu.memory_space<semaphore_mem>>) src(%dma_wait3A_27 : memref<64xi32, #tpu.memory_space<hbm>>) dst(%arg6 : memref<64xi32, #tpu.memory_space<vmem>>)
      tpu.yield
    }) : () -> ()
    %iota3A = tpu.iota {dimensions = array<i32: 0>} : vector<16xi32>
    %scan3A = arith.constant 0 : i32
    %scan3A_1 = arith.constant 0 : i32
    %scan3A_2 = arith.constant 25 : i32
    %scan3A_3 = arith.addi %scan3A_1, %scan3A_2 : i32
    %scan3A_4 = arith.constant 1 : i32
    scf.for %scan3A_18 = %scan3A_1 to %scan3A_3 step %scan3A_4  : i32 {
      %mul3A_19 = arith.constant 112 : i32
      %mul3A_20 = arith.muli %scan3A_18, %mul3A_19 : i32
      %add3A_21 = arith.constant 0 : i32
      %add3A_22 = arith.addi %mul3A_20, %add3A_21 : i32
      %add3A_23 = vector.broadcast %add3A_22 : i32 to vector<16xi32>
      %add3A_24 = arith.addi %add3A_23, %iota3A : vector<16xi32>
      %mul3A_25 = arith.constant 1311 : i32
      %mul3A_26 = vector.broadcast %mul3A_25 : i32 to vector<16xi32>
      %mul3A_27 = arith.muli %add3A_24, %mul3A_26 : vector<16xi32>
      %shift_right_arithmetic3A = arith.constant 16 : i32
      %shift_right_arithmetic3A_28 = vector.broadcast %shift_right_arithmetic3A : i32 to vector<16xi32>
      %shift_right_arithmetic3A_29 = arith.shrsi %mul3A_27, %shift_right_arithmetic3A_28 : vector<16xi32>
      %mul3A_30 = arith.constant 50 : i32
      %mul3A_31 = vector.broadcast %mul3A_30 : i32 to vector<16xi32>
      %mul3A_32 = arith.muli %shift_right_arithmetic3A_29, %mul3A_31 : vector<16xi32>
      %sub3A = arith.subi %add3A_24, %mul3A_32 : vector<16xi32>
      %gather3A = tpu.vector_load_idx %arg6[%sub3A] : memref<64xi32, #tpu.memory_space<vmem>>[vector<16xi32>], vector<16xi32>,
      %gather3A_33 = tpu.vector_load_idx %arg6[%shift_right_arithmetic3A_29] : memref<64xi32, #tpu.memory_space<vmem>>[vector<16xi32>], vector<16xi32>,
      %mul3A_34 = arith.constant 5000 : i32
      %mul3A_35 = vector.broadcast %mul3A_34 : i32 to vector<16xi32>
      %mul3A_36 = arith.muli %gather3A, %mul3A_35 : vector<16xi32>
      %add3A_37 = arith.addi %mul3A_36, %gather3A_33 : vector<16xi32>
      %swap3A = arith.index_cast %scan3A_18 : i32 to index
      %swap3A_38 = arith.constant 0 : index
      %swap3A_39 = tpu.vector_load %arg7[%swap3A, %swap3A_38] {strides = array<i32>} : memref<25x112xi32, #tpu.memory_space<vmem>>, vector<16xi32>,
      tpu.vector_store %arg7[%swap3A, %swap3A_38], %add3A_37 {strides = array<i32>} : memref<25x112xi32, #tpu.memory_space<vmem>>, vector<16xi32>,
      %mul3A_40 = arith.constant 112 : i32
      %mul3A_41 = arith.muli %scan3A_18, %mul3A_40 : i32
      %add3A_42 = arith.constant 16 : i32
      %add3A_43 = arith.addi %mul3A_41, %add3A_42 : i32
      %add3A_44 = vector.broadcast %add3A_43 : i32 to vector<16xi32>
      %add3A_45 = arith.addi %add3A_44, %iota3A : vector<16xi32>
      %mul3A_46 = arith.constant 1311 : i32
      %mul3A_47 = vector.broadcast %mul3A_46 : i32 to vector<16xi32>
      %mul3A_48 = arith.muli %add3A_45, %mul3A_47 : vector<16xi32>
      %shift_right_arithmetic3A_49 = arith.constant 16 : i32
      %shift_right_arithmetic3A_50 = vector.broadcast %shift_right_arithmetic3A_49 : i32 to vector<16xi32>
      %shift_right_arithmetic3A_51 = arith.shrsi %mul3A_48, %shift_right_arithmetic3A_50 : vector<16xi32>
      %mul3A_52 = arith.constant 50 : i32
      %mul3A_53 = vector.broadcast %mul3A_52 : i32 to vector<16xi32>
      %mul3A_54 = arith.muli %shift_right_arithmetic3A_51, %mul3A_53 : vector<16xi32>
      %sub3A_55 = arith.subi %add3A_45, %mul3A_54 : vector<16xi32>
      %gather3A_56 = tpu.vector_load_idx %arg6[%sub3A_55] : memref<64xi32, #tpu.memory_space<vmem>>[vector<16xi32>], vector<16xi32>,
      %gather3A_57 = tpu.vector_load_idx %arg6[%shift_right_arithmetic3A_51] : memref<64xi32, #tpu.memory_space<vmem>>[vector<16xi32>], vector<16xi32>,
      %mul3A_58 = arith.constant 5000 : i32
      %mul3A_59 = vector.broadcast %mul3A_58 : i32 to vector<16xi32>
      %mul3A_60 = arith.muli %gather3A_56, %mul3A_59 : vector<16xi32>
      %add3A_61 = arith.addi %mul3A_60, %gather3A_57 : vector<16xi32>
      %swap3A_62 = arith.index_cast %scan3A_18 : i32 to index
      %swap3A_63 = arith.constant 16 : index
      %swap3A_64 = tpu.vector_load %arg7[%swap3A_62, %swap3A_63] {strides = array<i32>} : memref<25x112xi32, #tpu.memory_space<vmem>>, vector<16xi32>,
      tpu.vector_store %arg7[%swap3A_62, %swap3A_63], %add3A_61 {strides = array<i32>} : memref<25x112xi32, #tpu.memory_space<vmem>>, vector<16xi32>,
      %mul3A_65 = arith.constant 112 : i32
      %mul3A_66 = arith.muli %scan3A_18, %mul3A_65 : i32
      %add3A_67 = arith.constant 32 : i32
      %add3A_68 = arith.addi %mul3A_66, %add3A_67 : i32
      %add3A_69 = vector.broadcast %add3A_68 : i32 to vector<16xi32>
      %add3A_70 = arith.addi %add3A_69, %iota3A : vector<16xi32>
      %mul3A_71 = arith.constant 1311 : i32
      %mul3A_72 = vector.broadcast %mul3A_71 : i32 to vector<16xi32>
      %mul3A_73 = arith.muli %add3A_70, %mul3A_72 : vector<16xi32>
      %shift_right_arithmetic3A_74 = arith.constant 16 : i32
      %shift_right_arithmetic3A_75 = vector.broadcast %shift_right_arithmetic3A_74 : i32 to vector<16xi32>
      %shift_right_arithmetic3A_76 = arith.shrsi %mul3A_73, %shift_right_arithmetic3A_75 : vector<16xi32>
      %mul3A_77 = arith.constant 50 : i32
      %mul3A_78 = vector.broadcast %mul3A_77 : i32 to vector<16xi32>
      %mul3A_79 = arith.muli %shift_right_arithmetic3A_76, %mul3A_78 : vector<16xi32>
      %sub3A_80 = arith.subi %add3A_70, %mul3A_79 : vector<16xi32>
      %gather3A_81 = tpu.vector_load_idx %arg6[%sub3A_80] : memref<64xi32, #tpu.memory_space<vmem>>[vector<16xi32>], vector<16xi32>,
      %gather3A_82 = tpu.vector_load_idx %arg6[%shift_right_arithmetic3A_76] : memref<64xi32, #tpu.memory_space<vmem>>[vector<16xi32>], vector<16xi32>,
      %mul3A_83 = arith.constant 5000 : i32
      %mul3A_84 = vector.broadcast %mul3A_83 : i32 to vector<16xi32>
      %mul3A_85 = arith.muli %gather3A_81, %mul3A_84 : vector<16xi32>
      %add3A_86 = arith.addi %mul3A_85, %gather3A_82 : vector<16xi32>
      %swap3A_87 = arith.index_cast %scan3A_18 : i32 to index
      %swap3A_88 = arith.constant 32 : index
      %swap3A_89 = tpu.vector_load %arg7[%swap3A_87, %swap3A_88] {strides = array<i32>} : memref<25x112xi32, #tpu.memory_space<vmem>>, vector<16xi32>,
      tpu.vector_store %arg7[%swap3A_87, %swap3A_88], %add3A_86 {strides = array<i32>} : memref<25x112xi32, #tpu.memory_space<vmem>>, vector<16xi32>,
      %mul3A_90 = arith.constant 112 : i32
      %mul3A_91 = arith.muli %scan3A_18, %mul3A_90 : i32
      %add3A_92 = arith.constant 48 : i32
      %add3A_93 = arith.addi %mul3A_91, %add3A_92 : i32
      %add3A_94 = vector.broadcast %add3A_93 : i32 to vector<16xi32>
      %add3A_95 = arith.addi %add3A_94, %iota3A : vector<16xi32>
      %mul3A_96 = arith.constant 1311 : i32
      %mul3A_97 = vector.broadcast %mul3A_96 : i32 to vector<16xi32>
      %mul3A_98 = arith.muli %add3A_95, %mul3A_97 : vector<16xi32>
      %shift_right_arithmetic3A_99 = arith.constant 16 : i32
      %shift_right_arithmetic3A_100 = vector.broadcast %shift_right_arithmetic3A_99 : i32 to vector<16xi32>
      %shift_right_arithmetic3A_101 = arith.shrsi %mul3A_98, %shift_right_arithmetic3A_100 : vector<16xi32>
      %mul3A_102 = arith.constant 50 : i32
      %mul3A_103 = vector.broadcast %mul3A_102 : i32 to vector<16xi32>
      %mul3A_104 = arith.muli %shift_right_arithmetic3A_101, %mul3A_103 : vector<16xi32>
      %sub3A_105 = arith.subi %add3A_95, %mul3A_104 : vector<16xi32>
      %gather3A_106 = tpu.vector_load_idx %arg6[%sub3A_105] : memref<64xi32, #tpu.memory_space<vmem>>[vector<16xi32>], vector<16xi32>,
      %gather3A_107 = tpu.vector_load_idx %arg6[%shift_right_arithmetic3A_101] : memref<64xi32, #tpu.memory_space<vmem>>[vector<16xi32>], vector<16xi32>,
      %mul3A_108 = arith.constant 5000 : i32
      %mul3A_109 = vector.broadcast %mul3A_108 : i32 to vector<16xi32>
      %mul3A_110 = arith.muli %gather3A_106, %mul3A_109 : vector<16xi32>
      %add3A_111 = arith.addi %mul3A_110, %gather3A_107 : vector<16xi32>
      %swap3A_112 = arith.index_cast %scan3A_18 : i32 to index
      %swap3A_113 = arith.constant 48 : index
      %swap3A_114 = tpu.vector_load %arg7[%swap3A_112, %swap3A_113] {strides = array<i32>} : memref<25x112xi32, #tpu.memory_space<vmem>>, vector<16xi32>,
      tpu.vector_store %arg7[%swap3A_112, %swap3A_113], %add3A_111 {strides = array<i32>} : memref<25x112xi32, #tpu.memory_space<vmem>>, vector<16xi32>,
      %mul3A_115 = arith.constant 112 : i32
      %mul3A_116 = arith.muli %scan3A_18, %mul3A_115 : i32
      %add3A_117 = arith.constant 64 : i32
      %add3A_118 = arith.addi %mul3A_116, %add3A_117 : i32
      %add3A_119 = vector.broadcast %add3A_118 : i32 to vector<16xi32>
      %add3A_120 = arith.addi %add3A_119, %iota3A : vector<16xi32>
      %mul3A_121 = arith.constant 1311 : i32
      %mul3A_122 = vector.broadcast %mul3A_121 : i32 to vector<16xi32>
      %mul3A_123 = arith.muli %add3A_120, %mul3A_122 : vector<16xi32>
      %shift_right_arithmetic3A_124 = arith.constant 16 : i32
      %shift_right_arithmetic3A_125 = vector.broadcast %shift_right_arithmetic3A_124 : i32 to vector<16xi32>
      %shift_right_arithmetic3A_126 = arith.shrsi %mul3A_123, %shift_right_arithmetic3A_125 : vector<16xi32>
      %mul3A_127 = arith.constant 50 : i32
      %mul3A_128 = vector.broadcast %mul3A_127 : i32 to vector<16xi32>
      %mul3A_129 = arith.muli %shift_right_arithmetic3A_126, %mul3A_128 : vector<16xi32>
      %sub3A_130 = arith.subi %add3A_120, %mul3A_129 : vector<16xi32>
      %gather3A_131 = tpu.vector_load_idx %arg6[%sub3A_130] : memref<64xi32, #tpu.memory_space<vmem>>[vector<16xi32>], vector<16xi32>,
      %gather3A_132 = tpu.vector_load_idx %arg6[%shift_right_arithmetic3A_126] : memref<64xi32, #tpu.memory_space<vmem>>[vector<16xi32>], vector<16xi32>,
      %mul3A_133 = arith.constant 5000 : i32
      %mul3A_134 = vector.broadcast %mul3A_133 : i32 to vector<16xi32>
      %mul3A_135 = arith.muli %gather3A_131, %mul3A_134 : vector<16xi32>
      %add3A_136 = arith.addi %mul3A_135, %gather3A_132 : vector<16xi32>
      %swap3A_137 = arith.index_cast %scan3A_18 : i32 to index
      %swap3A_138 = arith.constant 64 : index
      %swap3A_139 = tpu.vector_load %arg7[%swap3A_137, %swap3A_138] {strides = array<i32>} : memref<25x112xi32, #tpu.memory_space<vmem>>, vector<16xi32>,
      tpu.vector_store %arg7[%swap3A_137, %swap3A_138], %add3A_136 {strides = array<i32>} : memref<25x112xi32, #tpu.memory_space<vmem>>, vector<16xi32>,
      %mul3A_140 = arith.constant 112 : i32
      %mul3A_141 = arith.muli %scan3A_18, %mul3A_140 : i32
      %add3A_142 = arith.constant 80 : i32
      %add3A_143 = arith.addi %mul3A_141, %add3A_142 : i32
      %add3A_144 = vector.broadcast %add3A_143 : i32 to vector<16xi32>
      %add3A_145 = arith.addi %add3A_144, %iota3A : vector<16xi32>
      %mul3A_146 = arith.constant 1311 : i32
      %mul3A_147 = vector.broadcast %mul3A_146 : i32 to vector<16xi32>
      %mul3A_148 = arith.muli %add3A_145, %mul3A_147 : vector<16xi32>
      %shift_right_arithmetic3A_149 = arith.constant 16 : i32
      %shift_right_arithmetic3A_150 = vector.broadcast %shift_right_arithmetic3A_149 : i32 to vector<16xi32>
      %shift_right_arithmetic3A_151 = arith.shrsi %mul3A_148, %shift_right_arithmetic3A_150 : vector<16xi32>
      %mul3A_152 = arith.constant 50 : i32
      %mul3A_153 = vector.broadcast %mul3A_152 : i32 to vector<16xi32>
      %mul3A_154 = arith.muli %shift_right_arithmetic3A_151, %mul3A_153 : vector<16xi32>
      %sub3A_155 = arith.subi %add3A_145, %mul3A_154 : vector<16xi32>
      %gather3A_156 = tpu.vector_load_idx %arg6[%sub3A_155] : memref<64xi32, #tpu.memory_space<vmem>>[vector<16xi32>], vector<16xi32>,
      %gather3A_157 = tpu.vector_load_idx %arg6[%shift_right_arithmetic3A_151] : memref<64xi32, #tpu.memory_space<vmem>>[vector<16xi32>], vector<16xi32>,
      %mul3A_158 = arith.constant 5000 : i32
      %mul3A_159 = vector.broadcast %mul3A_158 : i32 to vector<16xi32>
      %mul3A_160 = arith.muli %gather3A_156, %mul3A_159 : vector<16xi32>
      %add3A_161 = arith.addi %mul3A_160, %gather3A_157 : vector<16xi32>
      %swap3A_162 = arith.index_cast %scan3A_18 : i32 to index
      %swap3A_163 = arith.constant 80 : index
      %swap3A_164 = tpu.vector_load %arg7[%swap3A_162, %swap3A_163] {strides = array<i32>} : memref<25x112xi32, #tpu.memory_space<vmem>>, vector<16xi32>,
      tpu.vector_store %arg7[%swap3A_162, %swap3A_163], %add3A_161 {strides = array<i32>} : memref<25x112xi32, #tpu.memory_space<vmem>>, vector<16xi32>,
      %mul3A_165 = arith.constant 112 : i32
      %mul3A_166 = arith.muli %scan3A_18, %mul3A_165 : i32
      %add3A_167 = arith.constant 96 : i32
      %add3A_168 = arith.addi %mul3A_166, %add3A_167 : i32
      %add3A_169 = vector.broadcast %add3A_168 : i32 to vector<16xi32>
      %add3A_170 = arith.addi %add3A_169, %iota3A : vector<16xi32>
      %mul3A_171 = arith.constant 1311 : i32
      %mul3A_172 = vector.broadcast %mul3A_171 : i32 to vector<16xi32>
      %mul3A_173 = arith.muli %add3A_170, %mul3A_172 : vector<16xi32>
      %shift_right_arithmetic3A_174 = arith.constant 16 : i32
      %shift_right_arithmetic3A_175 = vector.broadcast %shift_right_arithmetic3A_174 : i32 to vector<16xi32>
      %shift_right_arithmetic3A_176 = arith.shrsi %mul3A_173, %shift_right_arithmetic3A_175 : vector<16xi32>
      %mul3A_177 = arith.constant 50 : i32
      %mul3A_178 = vector.broadcast %mul3A_177 : i32 to vector<16xi32>
      %mul3A_179 = arith.muli %shift_right_arithmetic3A_176, %mul3A_178 : vector<16xi32>
      %sub3A_180 = arith.subi %add3A_170, %mul3A_179 : vector<16xi32>
      %gather3A_181 = tpu.vector_load_idx %arg6[%sub3A_180] : memref<64xi32, #tpu.memory_space<vmem>>[vector<16xi32>], vector<16xi32>,
      %gather3A_182 = tpu.vector_load_idx %arg6[%shift_right_arithmetic3A_176] : memref<64xi32, #tpu.memory_space<vmem>>[vector<16xi32>], vector<16xi32>,
      %mul3A_183 = arith.constant 5000 : i32
      %mul3A_184 = vector.broadcast %mul3A_183 : i32 to vector<16xi32>
      %mul3A_185 = arith.muli %gather3A_181, %mul3A_184 : vector<16xi32>
      %add3A_186 = arith.addi %mul3A_185, %gather3A_182 : vector<16xi32>
      %swap3A_187 = arith.index_cast %scan3A_18 : i32 to index
      %swap3A_188 = arith.constant 96 : index
      %swap3A_189 = tpu.vector_load %arg7[%swap3A_187, %swap3A_188] {strides = array<i32>} : memref<25x112xi32, #tpu.memory_space<vmem>>, vector<16xi32>,
      tpu.vector_store %arg7[%swap3A_187, %swap3A_188], %add3A_186 {strides = array<i32>} : memref<25x112xi32, #tpu.memory_space<vmem>>, vector<16xi32>,
      %dma_start3A = arith.constant 0 : i32
      %dma_start3A_190 = tpu.memref_slice %arg8[%scan3A_18, %dma_start3A] : memref<25x112xi32, #tpu.memory_space<vmem>> -> memref<1x112xi32, #tpu.memory_space<vmem>>
      %dma_start3A_191 = tpu.memref_squeeze %dma_start3A_190 : memref<1x112xi32, #tpu.memory_space<vmem>> -> memref<112xi32, #tpu.memory_space<vmem>>
      %dma_start3A_192 = arith.constant 0 : i32
      %dma_start3A_193 = tpu.memref_slice %arg7[%scan3A_18, %dma_start3A_192] : memref<25x112xi32, #tpu.memory_space<vmem>> -> memref<1x112xi32, #tpu.memory_space<vmem>>
      %dma_start3A_194 = tpu.memref_squeeze %dma_start3A_193 : memref<1x112xi32, #tpu.memory_space<vmem>> -> memref<112xi32, #tpu.memory_space<vmem>>
      %dma_start3A_195 = arith.constant 0 : i32
      %dma_start3A_196 = tpu.memref_slice %arg3[%dma_start3A_195] : memref<25000000xi32, #tpu.memory_space<hbm>> -> memref<25000000xi32, #tpu.memory_space<hbm>>
      tpu.enqueue_indirect_dma source(%dma_start3A_196 : memref<25000000xi32, #tpu.memory_space<hbm>>) target(%dma_start3A_191 : memref<112xi32, #tpu.memory_space<vmem>>) offsets(%dma_start3A_194 : memref<112xi32, #tpu.memory_space<vmem>>) semaphore(%arg10 : memref<!tpu.dma_semaphore, #tpu.memory_space<semaphore_mem>>)
    }
    %scan3A_5 = arith.constant 25 : i32
    %scan3A_6 = arith.constant 0 : i32
    %scan3A_7 = arith.constant 0 : i32
    %scan3A_8 = arith.constant 25 : i32
    %scan3A_9 = arith.addi %scan3A_7, %scan3A_8 : i32
    %scan3A_10 = arith.constant 1 : i32
    scf.for %scan3A_18 = %scan3A_7 to %scan3A_9 step %scan3A_10  : i32 {
      %dma_wait3A = arith.constant 0 : i32
      %dma_wait3A_19 = tpu.memref_slice %arg8[%scan3A_18, %dma_wait3A] : memref<25x112xi32, #tpu.memory_space<vmem>> -> memref<1x112xi32, #tpu.memory_space<vmem>>
      %dma_wait3A_20 = tpu.memref_squeeze %dma_wait3A_19 : memref<1x112xi32, #tpu.memory_space<vmem>> -> memref<112xi32, #tpu.memory_space<vmem>>
      %dma_wait3A_21 = arith.constant 0 : i32
      %dma_wait3A_22 = tpu.memref_slice %arg7[%scan3A_18, %dma_wait3A_21] : memref<25x112xi32, #tpu.memory_space<vmem>> -> memref<1x112xi32, #tpu.memory_space<vmem>>
      %dma_wait3A_23 = tpu.memref_squeeze %dma_wait3A_22 : memref<1x112xi32, #tpu.memory_space<vmem>> -> memref<112xi32, #tpu.memory_space<vmem>>
      %dma_wait3A_24 = arith.constant 0 : i32
      %dma_wait3A_25 = tpu.memref_slice %arg3[%dma_wait3A_24] : memref<25000000xi32, #tpu.memory_space<hbm>> -> memref<25000000xi32, #tpu.memory_space<hbm>>
      tpu.wait_indirect_dma semaphore(%arg10 : memref<!tpu.dma_semaphore, #tpu.memory_space<semaphore_mem>>) src(%dma_wait3A_25 : memref<25000000xi32, #tpu.memory_space<hbm>>) dst(%dma_wait3A_20 : memref<112xi32, #tpu.memory_space<vmem>>)
      %dma_start3A = arith.constant 0 : i32
      %dma_start3A_26 = tpu.memref_slice %arg9[%scan3A_18, %dma_start3A] : memref<25x112xf32, #tpu.memory_space<vmem>> -> memref<1x112xf32, #tpu.memory_space<vmem>>
      %dma_start3A_27 = tpu.memref_squeeze %dma_start3A_26 : memref<1x112xf32, #tpu.memory_space<vmem>> -> memref<112xf32, #tpu.memory_space<vmem>>
      %dma_start3A_28 = arith.constant 0 : i32
      %dma_start3A_29 = tpu.memref_slice %arg8[%scan3A_18, %dma_start3A_28] : memref<25x112xi32, #tpu.memory_space<vmem>> -> memref<1x112xi32, #tpu.memory_space<vmem>>
      %dma_start3A_30 = tpu.memref_squeeze %dma_start3A_29 : memref<1x112xi32, #tpu.memory_space<vmem>> -> memref<112xi32, #tpu.memory_space<vmem>>
      %dma_start3A_31 = arith.constant 0 : i32
      %dma_start3A_32 = tpu.memref_slice %arg4[%dma_start3A_31] : memref<200000xf32, #tpu.memory_space<hbm>> -> memref<200000xf32, #tpu.memory_space<hbm>>
      tpu.enqueue_indirect_dma source(%dma_start3A_32 : memref<200000xf32, #tpu.memory_space<hbm>>) target(%dma_start3A_27 : memref<112xf32, #tpu.memory_space<vmem>>) offsets(%dma_start3A_30 : memref<112xi32, #tpu.memory_space<vmem>>) semaphore(%arg11 : memref<!tpu.dma_semaphore, #tpu.memory_space<semaphore_mem>>)
    }
    %scan3A_11 = arith.constant 25 : i32
    %scan3A_12 = arith.constant 0 : i32
    %scan3A_13 = arith.constant 0 : i32
    %scan3A_14 = arith.constant 25 : i32
    %scan3A_15 = arith.addi %scan3A_13, %scan3A_14 : i32
    %scan3A_16 = arith.constant 1 : i32
    scf.for %scan3A_18 = %scan3A_13 to %scan3A_15 step %scan3A_16  : i32 {
      %dma_wait3A = arith.constant 0 : i32
      %dma_wait3A_19 = tpu.memref_slice %arg9[%scan3A_18, %dma_wait3A] : memref<25x112xf32, #tpu.memory_space<vmem>> -> memref<1x112xf32, #tpu.memory_space<vmem>>
      %dma_wait3A_20 = tpu.memref_squeeze %dma_wait3A_19 : memref<1x112xf32, #tpu.memory_space<vmem>> -> memref<112xf32, #tpu.memory_space<vmem>>
      %dma_wait3A_21 = arith.constant 0 : i32
      %dma_wait3A_22 = tpu.memref_slice %arg8[%scan3A_18, %dma_wait3A_21] : memref<25x112xi32, #tpu.memory_space<vmem>> -> memref<1x112xi32, #tpu.memory_space<vmem>>
      %dma_wait3A_23 = tpu.memref_squeeze %dma_wait3A_22 : memref<1x112xi32, #tpu.memory_space<vmem>> -> memref<112xi32, #tpu.memory_space<vmem>>
      %dma_wait3A_24 = arith.constant 0 : i32
      %dma_wait3A_25 = tpu.memref_slice %arg4[%dma_wait3A_24] : memref<200000xf32, #tpu.memory_space<hbm>> -> memref<200000xf32, #tpu.memory_space<hbm>>
      tpu.wait_indirect_dma semaphore(%arg11 : memref<!tpu.dma_semaphore, #tpu.memory_space<semaphore_mem>>) src(%dma_wait3A_25 : memref<200000xf32, #tpu.memory_space<hbm>>) dst(%dma_wait3A_20 : memref<112xf32, #tpu.memory_space<vmem>>)
    }
    %scan3A_17 = arith.constant 25 : i32
    "tpu.region"() ({
      %run_scoped3A = tpu.sem_alloc : memref<!tpu.dma_semaphore, #tpu.memory_space<semaphore_mem>>
      %dma_start3A = arith.constant 0 : i32
      %dma_start3A_18 = arith.constant 0 : i32
      %dma_start3A_19 = tpu.memref_slice %arg5[%add3A, %dma_start3A, %dma_start3A_18] : memref<32x25x112xf32, #tpu.memory_space<hbm>> -> memref<1x25x112xf32, #tpu.memory_space<hbm>>
      %dma_start3A_20 = tpu.memref_squeeze %dma_start3A_19 : memref<1x25x112xf32, #tpu.memory_space<hbm>> -> memref<25x112xf32, #tpu.memory_space<hbm>>
      %dma_start3A_21 = arith.constant 0 : i32
      %dma_start3A_22 = arith.constant 0 : i32
      %dma_start3A_23 = tpu.memref_slice %arg5[%add3A, %dma_start3A_21, %dma_start3A_22] : memref<32x25x112xf32, #tpu.memory_space<hbm>> -> memref<1x25x112xf32, #tpu.memory_space<hbm>>
      %dma_start3A_24 = tpu.memref_squeeze %dma_start3A_23 : memref<1x25x112xf32, #tpu.memory_space<hbm>> -> memref<25x112xf32, #tpu.memory_space<hbm>>
      tpu.enqueue_dma source(%arg9 : memref<25x112xf32, #tpu.memory_space<vmem>>) target(%dma_start3A_24 : memref<25x112xf32, #tpu.memory_space<hbm>>) target_semaphore(%run_scoped3A : memref<!tpu.dma_semaphore, #tpu.memory_space<semaphore_mem>>)
      %dma_wait3A = arith.constant 0 : i32
      %dma_wait3A_25 = arith.constant 0 : i32
      %dma_wait3A_26 = tpu.memref_slice %arg5[%add3A, %dma_wait3A, %dma_wait3A_25] : memref<32x25x112xf32, #tpu.memory_space<hbm>> -> memref<1x25x112xf32, #tpu.memory_space<hbm>>
      %dma_wait3A_27 = tpu.memref_squeeze %dma_wait3A_26 : memref<1x25x112xf32, #tpu.memory_space<hbm>> -> memref<25x112xf32, #tpu.memory_space<hbm>>
      %dma_wait3A_28 = arith.constant 0 : i32
      %dma_wait3A_29 = arith.constant 0 : i32
      %dma_wait3A_30 = tpu.memref_slice %arg5[%add3A, %dma_wait3A_28, %dma_wait3A_29] : memref<32x25x112xf32, #tpu.memory_space<hbm>> -> memref<1x25x112xf32, #tpu.memory_space<hbm>>
      %dma_wait3A_31 = tpu.memref_squeeze %dma_wait3A_30 : memref<1x25x112xf32, #tpu.memory_space<hbm>> -> memref<25x112xf32, #tpu.memory_space<hbm>>
      tpu.wait_dma2 semaphore(%run_scoped3A : memref<!tpu.dma_semaphore, #tpu.memory_space<semaphore_mem>>) src(%arg9 : memref<25x112xf32, #tpu.memory_space<vmem>>) dst(%dma_wait3A_31 : memref<25x112xf32, #tpu.memory_space<hbm>>)
      tpu.yield
    }) : () -> ()
    return
  }
}

#map = affine_map<(d0, d1) -> (0, 0)>
module attributes {stable_mosaic.version = 14 : i64} {
  func.func @_sc_h_body(%arg0: i32, %arg1: i32, %arg2: memref<32x64xi32, #tpu.memory_space<hbm>>, %arg3: memref<5000x768xf32, #tpu.memory_space<hbm>>, %arg4: memref<2048x768xf32, #tpu.memory_space<hbm>>, %arg5: memref<64xi32, #tpu.memory_space<vmem>>, %arg6: memref<64x768xf32, #tpu.memory_space<vmem>>, %arg7: memref<!tpu.dma_semaphore, #tpu.memory_space<semaphore_mem>>) attributes {dimension_semantics = [#tpu.dimension_semantics<core_parallel>, #tpu.dimension_semantics<subcore_parallel>], iteration_bounds = array<i64: 2, 16>, scalar_prefetch = 0 : i64, scratch_operands = 3 : i64, tpu.core_type = #tpu.core_type<sc_vector_subcore>, window_params = [{transform_indices = #map}, {transform_indices = #map}, {transform_indices = #map}]} {
    %mul3A = arith.constant 2 : i32
    %mul3A_0 = arith.muli %arg1, %mul3A : i32
    %add3A = arith.addi %mul3A_0, %arg0 : i32
    "tpu.region"() ({
      %run_scoped3A = tpu.sem_alloc : memref<!tpu.dma_semaphore, #tpu.memory_space<semaphore_mem>>
      %dma_start3A_7 = arith.constant 0 : i32
      %dma_start3A_8 = tpu.memref_slice %arg2[%add3A, %dma_start3A_7] : memref<32x64xi32, #tpu.memory_space<hbm>> -> memref<1x64xi32, #tpu.memory_space<hbm>>
      %dma_start3A_9 = tpu.memref_squeeze %dma_start3A_8 : memref<1x64xi32, #tpu.memory_space<hbm>> -> memref<64xi32, #tpu.memory_space<hbm>>
      %dma_start3A_10 = arith.constant 0 : i32
      %dma_start3A_11 = tpu.memref_slice %arg2[%add3A, %dma_start3A_10] : memref<32x64xi32, #tpu.memory_space<hbm>> -> memref<1x64xi32, #tpu.memory_space<hbm>>
      %dma_start3A_12 = tpu.memref_squeeze %dma_start3A_11 : memref<1x64xi32, #tpu.memory_space<hbm>> -> memref<64xi32, #tpu.memory_space<hbm>>
      tpu.enqueue_dma source(%dma_start3A_12 : memref<64xi32, #tpu.memory_space<hbm>>) target(%arg5 : memref<64xi32, #tpu.memory_space<vmem>>) target_semaphore(%run_scoped3A : memref<!tpu.dma_semaphore, #tpu.memory_space<semaphore_mem>>)
      %dma_wait3A_13 = arith.constant 0 : i32
      %dma_wait3A_14 = tpu.memref_slice %arg2[%add3A, %dma_wait3A_13] : memref<32x64xi32, #tpu.memory_space<hbm>> -> memref<1x64xi32, #tpu.memory_space<hbm>>
      %dma_wait3A_15 = tpu.memref_squeeze %dma_wait3A_14 : memref<1x64xi32, #tpu.memory_space<hbm>> -> memref<64xi32, #tpu.memory_space<hbm>>
      %dma_wait3A_16 = arith.constant 0 : i32
      %dma_wait3A_17 = tpu.memref_slice %arg2[%add3A, %dma_wait3A_16] : memref<32x64xi32, #tpu.memory_space<hbm>> -> memref<1x64xi32, #tpu.memory_space<hbm>>
      %dma_wait3A_18 = tpu.memref_squeeze %dma_wait3A_17 : memref<1x64xi32, #tpu.memory_space<hbm>> -> memref<64xi32, #tpu.memory_space<hbm>>
      tpu.wait_dma2 semaphore(%run_scoped3A : memref<!tpu.dma_semaphore, #tpu.memory_space<semaphore_mem>>) src(%dma_wait3A_18 : memref<64xi32, #tpu.memory_space<hbm>>) dst(%arg5 : memref<64xi32, #tpu.memory_space<vmem>>)
      tpu.yield
    }) : () -> ()
    %dma_start3A = arith.constant 0 : i32
    %dma_start3A_1 = arith.constant 0 : i32
    %dma_start3A_2 = tpu.memref_slice %arg3[%dma_start3A, %dma_start3A_1] : memref<5000x768xf32, #tpu.memory_space<hbm>> -> memref<5000x768xf32, #tpu.memory_space<hbm>>
    tpu.enqueue_indirect_dma source(%dma_start3A_2 : memref<5000x768xf32, #tpu.memory_space<hbm>>) target(%arg6 : memref<64x768xf32, #tpu.memory_space<vmem>>) offsets(%arg5 : memref<64xi32, #tpu.memory_space<vmem>>) semaphore(%arg7 : memref<!tpu.dma_semaphore, #tpu.memory_space<semaphore_mem>>)
    %dma_wait3A = arith.constant 0 : i32
    %dma_wait3A_3 = arith.constant 0 : i32
    %dma_wait3A_4 = tpu.memref_slice %arg3[%dma_wait3A, %dma_wait3A_3] : memref<5000x768xf32, #tpu.memory_space<hbm>> -> memref<5000x768xf32, #tpu.memory_space<hbm>>
    tpu.wait_indirect_dma semaphore(%arg7 : memref<!tpu.dma_semaphore, #tpu.memory_space<semaphore_mem>>) src(%dma_wait3A_4 : memref<5000x768xf32, #tpu.memory_space<hbm>>) dst(%arg6 : memref<64x768xf32, #tpu.memory_space<vmem>>)
    %mul3A_5 = arith.constant 64 : i32
    %mul3A_6 = arith.muli %add3A, %mul3A_5 : i32
    "tpu.region"() ({
      %run_scoped3A = tpu.sem_alloc : memref<!tpu.dma_semaphore, #tpu.memory_space<semaphore_mem>>
      %dma_start3A_7 = arith.constant 0 : i32
      %dma_start3A_8 = tpu.memref_slice %arg4[%mul3A_6, %dma_start3A_7] : memref<2048x768xf32, #tpu.memory_space<hbm>> -> memref<64x768xf32, #tpu.memory_space<hbm>>
      %dma_start3A_9 = arith.constant 0 : i32
      %dma_start3A_10 = tpu.memref_slice %arg4[%mul3A_6, %dma_start3A_9] : memref<2048x768xf32, #tpu.memory_space<hbm>> -> memref<64x768xf32, #tpu.memory_space<hbm>>
      tpu.enqueue_dma source(%arg6 : memref<64x768xf32, #tpu.memory_space<vmem>>) target(%dma_start3A_10 : memref<64x768xf32, #tpu.memory_space<hbm>>) target_semaphore(%run_scoped3A : memref<!tpu.dma_semaphore, #tpu.memory_space<semaphore_mem>>)
      %dma_wait3A_11 = arith.constant 0 : i32
      %dma_wait3A_12 = tpu.memref_slice %arg4[%mul3A_6, %dma_wait3A_11] : memref<2048x768xf32, #tpu.memory_space<hbm>> -> memref<64x768xf32, #tpu.memory_space<hbm>>
      %dma_wait3A_13 = arith.constant 0 : i32
      %dma_wait3A_14 = tpu.memref_slice %arg4[%mul3A_6, %dma_wait3A_13] : memref<2048x768xf32, #tpu.memory_space<hbm>> -> memref<64x768xf32, #tpu.memory_space<hbm>>
      tpu.wait_dma2 semaphore(%run_scoped3A : memref<!tpu.dma_semaphore, #tpu.memory_space<semaphore_mem>>) src(%arg6 : memref<64x768xf32, #tpu.memory_space<vmem>>) dst(%dma_wait3A_14 : memref<64x768xf32, #tpu.memory_space<hbm>>)
      tpu.yield
    }) : () -> ()
    return
  }
}

module attributes {stable_mosaic.version = 14 : i64} {
  func.func @_tc_body(%arg0: i32, %arg1: memref<1x1x64xi32, #tpu.memory_space<vmem>>, %arg2: memref<1x64x1xi32, #tpu.memory_space<vmem>>, %arg3: memref<1x64x768xf32, #tpu.memory_space<vmem>>, %arg4: memref<1x56x50xf32, #tpu.memory_space<vmem>>, %arg5: memref<1x1xf32, #tpu.memory_space<vmem>>, %arg6: memref<768x768xf32, #tpu.memory_space<vmem>>, %arg7: memref<1x768xf32, #tpu.memory_space<vmem>>, %arg8: memref<1x1x768xf32, #tpu.memory_space<vmem>>) attributes {dimension_semantics = [#tpu.dimension_semantics<arbitrary>], iteration_bounds = array<i64: 32>, scalar_prefetch = 0 : i64, scratch_operands = 0 : i64, tpu.core_type = #tpu.core_type<tc>, window_params = [{transform_indices = @transform_0, window_bounds = array<i64: 1, 1, 64>}, {transform_indices = @transform_1, window_bounds = array<i64: 1, 64, 1>}, {transform_indices = @transform_2, window_bounds = array<i64: 1, 64, 768>}, {transform_indices = @transform_3, window_bounds = array<i64: 1, 56, 50>}, {pipeline_mode = #tpu.pipeline_mode<synchronous>, transform_indices = @transform_4, window_bounds = array<i64: 1, 1>}, {pipeline_mode = #tpu.pipeline_mode<synchronous>, transform_indices = @transform_5, window_bounds = array<i64: 768, 768>}, {pipeline_mode = #tpu.pipeline_mode<synchronous>, transform_indices = @transform_6, window_bounds = array<i64: 1, 768>}, {transform_indices = @transform_7, window_bounds = array<i64: 1, 1, 768>}]} {
    %get3A = arith.constant 0 : index
    %get3A_0 = arith.constant 0 : index
    %get3A_1 = arith.constant 0 : index
    %get3A_2 = vector.load %arg1[%get3A, %get3A_0, %get3A_1] : memref<1x1x64xi32, #tpu.memory_space<vmem>>, vector<1x1x64xi32>
    %get3A_3 = vector.shape_cast %get3A_2 : vector<1x1x64xi32> to vector<1x64xi32>
    %get3A_4 = arith.constant 0 : index
    %get3A_5 = arith.constant 0 : index
    %get3A_6 = arith.constant 0 : index
    %get3A_7 = vector.load %arg2[%get3A_4, %get3A_5, %get3A_6] : memref<1x64x1xi32, #tpu.memory_space<vmem>>, vector<1x64x1xi32>
    %get3A_8 = vector.shape_cast %get3A_7 : vector<1x64x1xi32> to vector<64x1xi32>
    %eq3A = vector.broadcast %get3A_8 : vector<64x1xi32> to vector<64x64xi32>
    %eq3A_9 = vector.broadcast %get3A_3 : vector<1x64xi32> to vector<64x64xi32>
    %eq3A_10 = arith.cmpi eq, %eq3A, %eq3A_9 : vector<64x64xi32>
    %iota3A = tpu.iota {dimensions = array<i32: 0>} : vector<64x64xi32>
    %iota3A_11 = tpu.iota {dimensions = array<i32: 1>} : vector<64x64xi32>
    %broadcast_in_dim3A = arith.constant 1.000000e+00 : f32
    %broadcast_in_dim3A_12 = vector.broadcast %broadcast_in_dim3A : f32 to vector<64x64xf32>
    %broadcast_in_dim3A_13 = arith.constant 0.000000e+00 : f32
    %broadcast_in_dim3A_14 = vector.broadcast %broadcast_in_dim3A_13 : f32 to vector<64x64xf32>
    %lt3A = arith.cmpi slt, %iota3A_11, %iota3A : vector<64x64xi32>
    %and3A = arith.andi %eq3A_10, %lt3A : vector<64x64xi1>
    %select_n3A = arith.select %and3A, %broadcast_in_dim3A_12, %broadcast_in_dim3A_14 : vector<64x64xi1>, vector<64x64xf32>
    %reduce_sum3A = arith.constant dense<0.000000e+00> : vector<64xf32>
    %reduce_sum3A_15 = vector.multi_reduction <add>, %select_n3A, %reduce_sum3A [1] : vector<64x64xf32> to vector<64xf32>
    %broadcast_in_dim3A_16 = vector.shape_cast %reduce_sum3A_15 : vector<64xf32> to vector<64x1xf32>
    %eq3A_17 = arith.constant 0.000000e+00 : f32
    %eq3A_18 = vector.broadcast %eq3A_17 : f32 to vector<64x1xf32>
    %eq3A_19 = arith.cmpf oeq, %broadcast_in_dim3A_16, %eq3A_18 : vector<64x1xf32>
    %ne3A = arith.constant 0 : i32
    %ne3A_20 = vector.broadcast %ne3A : i32 to vector<64x1xi32>
    %ne3A_21 = arith.cmpi ne, %get3A_8, %ne3A_20 : vector<64x1xi32>
    %and3A_22 = arith.andi %eq3A_19, %ne3A_21 : vector<64x1xi1>
    %lt3A_23 = arith.cmpi slt, %iota3A, %iota3A_11 : vector<64x64xi32>
    %and3A_24 = arith.andi %eq3A_10, %lt3A_23 : vector<64x64xi1>
    %select_n3A_25 = arith.select %and3A_24, %broadcast_in_dim3A_12, %broadcast_in_dim3A_14 : vector<64x64xi1>, vector<64x64xf32>
    %reduce_sum3A_26 = arith.constant dense<0.000000e+00> : vector<64xf32>
    %reduce_sum3A_27 = vector.multi_reduction <add>, %select_n3A_25, %reduce_sum3A_26 [0] : vector<64x64xf32> to vector<64xf32>
    %broadcast_in_dim3A_28 = vector.shape_cast %reduce_sum3A_27 : vector<64xf32> to vector<1x64xf32>
    %eq3A_29 = arith.constant 0.000000e+00 : f32
    %eq3A_30 = vector.broadcast %eq3A_29 : f32 to vector<1x64xf32>
    %eq3A_31 = arith.cmpf oeq, %broadcast_in_dim3A_28, %eq3A_30 : vector<1x64xf32>
    %ne3A_32 = arith.constant 0 : i32
    %ne3A_33 = vector.broadcast %ne3A_32 : i32 to vector<1x64xi32>
    %ne3A_34 = arith.cmpi ne, %get3A_3, %ne3A_33 : vector<1x64xi32>
    %and3A_35 = arith.andi %eq3A_31, %ne3A_34 : vector<1x64xi1>
    %get3A_36 = arith.constant 0 : index
    %get3A_37 = arith.constant 0 : index
    %get3A_38 = arith.constant 0 : index
    %get3A_39 = vector.load %arg3[%get3A_36, %get3A_37, %get3A_38] : memref<1x64x768xf32, #tpu.memory_space<vmem>>, vector<1x64x768xf32>
    %get3A_40 = vector.shape_cast %get3A_39 : vector<1x64x768xf32> to vector<64x768xf32>
    %get3A_41 = arith.constant 0 : index
    %get3A_42 = arith.constant 0 : index
    %get3A_43 = arith.constant 0 : index
    %get3A_44 = vector.load %arg4[%get3A_41, %get3A_42, %get3A_43] : memref<1x56x50xf32, #tpu.memory_space<vmem>>, vector<1x56x50xf32>
    %get3A_45 = vector.shape_cast %get3A_44 : vector<1x56x50xf32> to vector<56x50xf32>
    %jit3A = arith.constant -1.000000e+30 : f32
    %broadcast_in_dim3A_46 = vector.shape_cast %and3A_22 : vector<64x1xi1> to vector<64x1xi1>
    %broadcast_in_dim3A_47 = vector.broadcast %broadcast_in_dim3A_46 : vector<64x1xi1> to vector<64x768xi1>
    %broadcast_in_dim3A_48 = vector.broadcast %jit3A : f32 to vector<64x768xf32>
    %select_n3A_49 = arith.select %broadcast_in_dim3A_47, %get3A_40, %broadcast_in_dim3A_48 : vector<64x768xi1>, vector<64x768xf32>
    %slice3A = vector.extract_strided_slice %and3A_35 {offsets = [0, 0], sizes = [1, 50], strides = [1, 1]} : vector<1x64xi1> to vector<1x50xi1>
    %jit3A_50 = arith.constant 1.000000e+00 : f32
    %broadcast_in_dim3A_51 = vector.shape_cast %slice3A : vector<1x50xi1> to vector<1x50xi1>
    %broadcast_in_dim3A_52 = vector.broadcast %broadcast_in_dim3A_51 : vector<1x50xi1> to vector<56x50xi1>
    %broadcast_in_dim3A_53 = vector.broadcast %jit3A_50 : f32 to vector<56x50xf32>
    %select_n3A_54 = arith.select %broadcast_in_dim3A_52, %get3A_45, %broadcast_in_dim3A_53 : vector<56x50xi1>, vector<56x50xf32>
    %broadcast_in_dim3A_55 = arith.constant -1.000000e+30 : f32
    %broadcast_in_dim3A_56 = vector.broadcast %broadcast_in_dim3A_55 : f32 to vector<56x768xf32>
    %slice3A_57 = vector.extract_strided_slice %select_n3A_54 {offsets = [0, 0], sizes = [56, 1], strides = [1, 1]} : vector<56x50xf32> to vector<56x1xf32>
    %slice3A_58 = vector.extract_strided_slice %select_n3A_49 {offsets = [0, 0], sizes = [1, 768], strides = [1, 1]} : vector<64x768xf32> to vector<1x768xf32>
    %mul3A = vector.broadcast %slice3A_57 : vector<56x1xf32> to vector<56x768xf32>
    %mul3A_59 = vector.broadcast %slice3A_58 : vector<1x768xf32> to vector<56x768xf32>
    %mul3A_60 = arith.mulf %mul3A, %mul3A_59 : vector<56x768xf32>
    %max3A = arith.maximumf %broadcast_in_dim3A_56, %mul3A_60 : vector<56x768xf32>
    %slice3A_61 = vector.extract_strided_slice %select_n3A_54 {offsets = [0, 1], sizes = [56, 1], strides = [1, 1]} : vector<56x50xf32> to vector<56x1xf32>
    %slice3A_62 = vector.extract_strided_slice %select_n3A_49 {offsets = [1, 0], sizes = [1, 768], strides = [1, 1]} : vector<64x768xf32> to vector<1x768xf32>
    %mul3A_63 = vector.broadcast %slice3A_61 : vector<56x1xf32> to vector<56x768xf32>
    %mul3A_64 = vector.broadcast %slice3A_62 : vector<1x768xf32> to vector<56x768xf32>
    %mul3A_65 = arith.mulf %mul3A_63, %mul3A_64 : vector<56x768xf32>
    %max3A_66 = arith.maximumf %max3A, %mul3A_65 : vector<56x768xf32>
    %slice3A_67 = vector.extract_strided_slice %select_n3A_54 {offsets = [0, 2], sizes = [56, 1], strides = [1, 1]} : vector<56x50xf32> to vector<56x1xf32>
    %slice3A_68 = vector.extract_strided_slice %select_n3A_49 {offsets = [2, 0], sizes = [1, 768], strides = [1, 1]} : vector<64x768xf32> to vector<1x768xf32>
    %mul3A_69 = vector.broadcast %slice3A_67 : vector<56x1xf32> to vector<56x768xf32>
    %mul3A_70 = vector.broadcast %slice3A_68 : vector<1x768xf32> to vector<56x768xf32>
    %mul3A_71 = arith.mulf %mul3A_69, %mul3A_70 : vector<56x768xf32>
    %max3A_72 = arith.maximumf %max3A_66, %mul3A_71 : vector<56x768xf32>
    %slice3A_73 = vector.extract_strided_slice %select_n3A_54 {offsets = [0, 3], sizes = [56, 1], strides = [1, 1]} : vector<56x50xf32> to vector<56x1xf32>
    %slice3A_74 = vector.extract_strided_slice %select_n3A_49 {offsets = [3, 0], sizes = [1, 768], strides = [1, 1]} : vector<64x768xf32> to vector<1x768xf32>
    %mul3A_75 = vector.broadcast %slice3A_73 : vector<56x1xf32> to vector<56x768xf32>
    %mul3A_76 = vector.broadcast %slice3A_74 : vector<1x768xf32> to vector<56x768xf32>
    %mul3A_77 = arith.mulf %mul3A_75, %mul3A_76 : vector<56x768xf32>
    %max3A_78 = arith.maximumf %max3A_72, %mul3A_77 : vector<56x768xf32>
    %slice3A_79 = vector.extract_strided_slice %select_n3A_54 {offsets = [0, 4], sizes = [56, 1], strides = [1, 1]} : vector<56x50xf32> to vector<56x1xf32>
    %slice3A_80 = vector.extract_strided_slice %select_n3A_49 {offsets = [4, 0], sizes = [1, 768], strides = [1, 1]} : vector<64x768xf32> to vector<1x768xf32>
    %mul3A_81 = vector.broadcast %slice3A_79 : vector<56x1xf32> to vector<56x768xf32>
    %mul3A_82 = vector.broadcast %slice3A_80 : vector<1x768xf32> to vector<56x768xf32>
    %mul3A_83 = arith.mulf %mul3A_81, %mul3A_82 : vector<56x768xf32>
    %max3A_84 = arith.maximumf %max3A_78, %mul3A_83 : vector<56x768xf32>
    %slice3A_85 = vector.extract_strided_slice %select_n3A_54 {offsets = [0, 5], sizes = [56, 1], strides = [1, 1]} : vector<56x50xf32> to vector<56x1xf32>
    %slice3A_86 = vector.extract_strided_slice %select_n3A_49 {offsets = [5, 0], sizes = [1, 768], strides = [1, 1]} : vector<64x768xf32> to vector<1x768xf32>
    %mul3A_87 = vector.broadcast %slice3A_85 : vector<56x1xf32> to vector<56x768xf32>
    %mul3A_88 = vector.broadcast %slice3A_86 : vector<1x768xf32> to vector<56x768xf32>
    %mul3A_89 = arith.mulf %mul3A_87, %mul3A_88 : vector<56x768xf32>
    %max3A_90 = arith.maximumf %max3A_84, %mul3A_89 : vector<56x768xf32>
    %slice3A_91 = vector.extract_strided_slice %select_n3A_54 {offsets = [0, 6], sizes = [56, 1], strides = [1, 1]} : vector<56x50xf32> to vector<56x1xf32>
    %slice3A_92 = vector.extract_strided_slice %select_n3A_49 {offsets = [6, 0], sizes = [1, 768], strides = [1, 1]} : vector<64x768xf32> to vector<1x768xf32>
    %mul3A_93 = vector.broadcast %slice3A_91 : vector<56x1xf32> to vector<56x768xf32>
    %mul3A_94 = vector.broadcast %slice3A_92 : vector<1x768xf32> to vector<56x768xf32>
    %mul3A_95 = arith.mulf %mul3A_93, %mul3A_94 : vector<56x768xf32>
    %max3A_96 = arith.maximumf %max3A_90, %mul3A_95 : vector<56x768xf32>
    %slice3A_97 = vector.extract_strided_slice %select_n3A_54 {offsets = [0, 7], sizes = [56, 1], strides = [1, 1]} : vector<56x50xf32> to vector<56x1xf32>
    %slice3A_98 = vector.extract_strided_slice %select_n3A_49 {offsets = [7, 0], sizes = [1, 768], strides = [1, 1]} : vector<64x768xf32> to vector<1x768xf32>
    %mul3A_99 = vector.broadcast %slice3A_97 : vector<56x1xf32> to vector<56x768xf32>
    %mul3A_100 = vector.broadcast %slice3A_98 : vector<1x768xf32> to vector<56x768xf32>
    %mul3A_101 = arith.mulf %mul3A_99, %mul3A_100 : vector<56x768xf32>
    %max3A_102 = arith.maximumf %max3A_96, %mul3A_101 : vector<56x768xf32>
    %slice3A_103 = vector.extract_strided_slice %select_n3A_54 {offsets = [0, 8], sizes = [56, 1], strides = [1, 1]} : vector<56x50xf32> to vector<56x1xf32>
    %slice3A_104 = vector.extract_strided_slice %select_n3A_49 {offsets = [8, 0], sizes = [1, 768], strides = [1, 1]} : vector<64x768xf32> to vector<1x768xf32>
    %mul3A_105 = vector.broadcast %slice3A_103 : vector<56x1xf32> to vector<56x768xf32>
    %mul3A_106 = vector.broadcast %slice3A_104 : vector<1x768xf32> to vector<56x768xf32>
    %mul3A_107 = arith.mulf %mul3A_105, %mul3A_106 : vector<56x768xf32>
    %max3A_108 = arith.maximumf %max3A_102, %mul3A_107 : vector<56x768xf32>
    %slice3A_109 = vector.extract_strided_slice %select_n3A_54 {offsets = [0, 9], sizes = [56, 1], strides = [1, 1]} : vector<56x50xf32> to vector<56x1xf32>
    %slice3A_110 = vector.extract_strided_slice %select_n3A_49 {offsets = [9, 0], sizes = [1, 768], strides = [1, 1]} : vector<64x768xf32> to vector<1x768xf32>
    %mul3A_111 = vector.broadcast %slice3A_109 : vector<56x1xf32> to vector<56x768xf32>
    %mul3A_112 = vector.broadcast %slice3A_110 : vector<1x768xf32> to vector<56x768xf32>
    %mul3A_113 = arith.mulf %mul3A_111, %mul3A_112 : vector<56x768xf32>
    %max3A_114 = arith.maximumf %max3A_108, %mul3A_113 : vector<56x768xf32>
    %slice3A_115 = vector.extract_strided_slice %select_n3A_54 {offsets = [0, 10], sizes = [56, 1], strides = [1, 1]} : vector<56x50xf32> to vector<56x1xf32>
    %slice3A_116 = vector.extract_strided_slice %select_n3A_49 {offsets = [10, 0], sizes = [1, 768], strides = [1, 1]} : vector<64x768xf32> to vector<1x768xf32>
    %mul3A_117 = vector.broadcast %slice3A_115 : vector<56x1xf32> to vector<56x768xf32>
    %mul3A_118 = vector.broadcast %slice3A_116 : vector<1x768xf32> to vector<56x768xf32>
    %mul3A_119 = arith.mulf %mul3A_117, %mul3A_118 : vector<56x768xf32>
    %max3A_120 = arith.maximumf %max3A_114, %mul3A_119 : vector<56x768xf32>
    %slice3A_121 = vector.extract_strided_slice %select_n3A_54 {offsets = [0, 11], sizes = [56, 1], strides = [1, 1]} : vector<56x50xf32> to vector<56x1xf32>
    %slice3A_122 = vector.extract_strided_slice %select_n3A_49 {offsets = [11, 0], sizes = [1, 768], strides = [1, 1]} : vector<64x768xf32> to vector<1x768xf32>
    %mul3A_123 = vector.broadcast %slice3A_121 : vector<56x1xf32> to vector<56x768xf32>
    %mul3A_124 = vector.broadcast %slice3A_122 : vector<1x768xf32> to vector<56x768xf32>
    %mul3A_125 = arith.mulf %mul3A_123, %mul3A_124 : vector<56x768xf32>
    %max3A_126 = arith.maximumf %max3A_120, %mul3A_125 : vector<56x768xf32>
    %slice3A_127 = vector.extract_strided_slice %select_n3A_54 {offsets = [0, 12], sizes = [56, 1], strides = [1, 1]} : vector<56x50xf32> to vector<56x1xf32>
    %slice3A_128 = vector.extract_strided_slice %select_n3A_49 {offsets = [12, 0], sizes = [1, 768], strides = [1, 1]} : vector<64x768xf32> to vector<1x768xf32>
    %mul3A_129 = vector.broadcast %slice3A_127 : vector<56x1xf32> to vector<56x768xf32>
    %mul3A_130 = vector.broadcast %slice3A_128 : vector<1x768xf32> to vector<56x768xf32>
    %mul3A_131 = arith.mulf %mul3A_129, %mul3A_130 : vector<56x768xf32>
    %max3A_132 = arith.maximumf %max3A_126, %mul3A_131 : vector<56x768xf32>
    %slice3A_133 = vector.extract_strided_slice %select_n3A_54 {offsets = [0, 13], sizes = [56, 1], strides = [1, 1]} : vector<56x50xf32> to vector<56x1xf32>
    %slice3A_134 = vector.extract_strided_slice %select_n3A_49 {offsets = [13, 0], sizes = [1, 768], strides = [1, 1]} : vector<64x768xf32> to vector<1x768xf32>
    %mul3A_135 = vector.broadcast %slice3A_133 : vector<56x1xf32> to vector<56x768xf32>
    %mul3A_136 = vector.broadcast %slice3A_134 : vector<1x768xf32> to vector<56x768xf32>
    %mul3A_137 = arith.mulf %mul3A_135, %mul3A_136 : vector<56x768xf32>
    %max3A_138 = arith.maximumf %max3A_132, %mul3A_137 : vector<56x768xf32>
    %slice3A_139 = vector.extract_strided_slice %select_n3A_54 {offsets = [0, 14], sizes = [56, 1], strides = [1, 1]} : vector<56x50xf32> to vector<56x1xf32>
    %slice3A_140 = vector.extract_strided_slice %select_n3A_49 {offsets = [14, 0], sizes = [1, 768], strides = [1, 1]} : vector<64x768xf32> to vector<1x768xf32>
    %mul3A_141 = vector.broadcast %slice3A_139 : vector<56x1xf32> to vector<56x768xf32>
    %mul3A_142 = vector.broadcast %slice3A_140 : vector<1x768xf32> to vector<56x768xf32>
    %mul3A_143 = arith.mulf %mul3A_141, %mul3A_142 : vector<56x768xf32>
    %max3A_144 = arith.maximumf %max3A_138, %mul3A_143 : vector<56x768xf32>
    %slice3A_145 = vector.extract_strided_slice %select_n3A_54 {offsets = [0, 15], sizes = [56, 1], strides = [1, 1]} : vector<56x50xf32> to vector<56x1xf32>
    %slice3A_146 = vector.extract_strided_slice %select_n3A_49 {offsets = [15, 0], sizes = [1, 768], strides = [1, 1]} : vector<64x768xf32> to vector<1x768xf32>
    %mul3A_147 = vector.broadcast %slice3A_145 : vector<56x1xf32> to vector<56x768xf32>
    %mul3A_148 = vector.broadcast %slice3A_146 : vector<1x768xf32> to vector<56x768xf32>
    %mul3A_149 = arith.mulf %mul3A_147, %mul3A_148 : vector<56x768xf32>
    %max3A_150 = arith.maximumf %max3A_144, %mul3A_149 : vector<56x768xf32>
    %slice3A_151 = vector.extract_strided_slice %select_n3A_54 {offsets = [0, 16], sizes = [56, 1], strides = [1, 1]} : vector<56x50xf32> to vector<56x1xf32>
    %slice3A_152 = vector.extract_strided_slice %select_n3A_49 {offsets = [16, 0], sizes = [1, 768], strides = [1, 1]} : vector<64x768xf32> to vector<1x768xf32>
    %mul3A_153 = vector.broadcast %slice3A_151 : vector<56x1xf32> to vector<56x768xf32>
    %mul3A_154 = vector.broadcast %slice3A_152 : vector<1x768xf32> to vector<56x768xf32>
    %mul3A_155 = arith.mulf %mul3A_153, %mul3A_154 : vector<56x768xf32>
    %max3A_156 = arith.maximumf %max3A_150, %mul3A_155 : vector<56x768xf32>
    %slice3A_157 = vector.extract_strided_slice %select_n3A_54 {offsets = [0, 17], sizes = [56, 1], strides = [1, 1]} : vector<56x50xf32> to vector<56x1xf32>
    %slice3A_158 = vector.extract_strided_slice %select_n3A_49 {offsets = [17, 0], sizes = [1, 768], strides = [1, 1]} : vector<64x768xf32> to vector<1x768xf32>
    %mul3A_159 = vector.broadcast %slice3A_157 : vector<56x1xf32> to vector<56x768xf32>
    %mul3A_160 = vector.broadcast %slice3A_158 : vector<1x768xf32> to vector<56x768xf32>
    %mul3A_161 = arith.mulf %mul3A_159, %mul3A_160 : vector<56x768xf32>
    %max3A_162 = arith.maximumf %max3A_156, %mul3A_161 : vector<56x768xf32>
    %slice3A_163 = vector.extract_strided_slice %select_n3A_54 {offsets = [0, 18], sizes = [56, 1], strides = [1, 1]} : vector<56x50xf32> to vector<56x1xf32>
    %slice3A_164 = vector.extract_strided_slice %select_n3A_49 {offsets = [18, 0], sizes = [1, 768], strides = [1, 1]} : vector<64x768xf32> to vector<1x768xf32>
    %mul3A_165 = vector.broadcast %slice3A_163 : vector<56x1xf32> to vector<56x768xf32>
    %mul3A_166 = vector.broadcast %slice3A_164 : vector<1x768xf32> to vector<56x768xf32>
    %mul3A_167 = arith.mulf %mul3A_165, %mul3A_166 : vector<56x768xf32>
    %max3A_168 = arith.maximumf %max3A_162, %mul3A_167 : vector<56x768xf32>
    %slice3A_169 = vector.extract_strided_slice %select_n3A_54 {offsets = [0, 19], sizes = [56, 1], strides = [1, 1]} : vector<56x50xf32> to vector<56x1xf32>
    %slice3A_170 = vector.extract_strided_slice %select_n3A_49 {offsets = [19, 0], sizes = [1, 768], strides = [1, 1]} : vector<64x768xf32> to vector<1x768xf32>
    %mul3A_171 = vector.broadcast %slice3A_169 : vector<56x1xf32> to vector<56x768xf32>
    %mul3A_172 = vector.broadcast %slice3A_170 : vector<1x768xf32> to vector<56x768xf32>
    %mul3A_173 = arith.mulf %mul3A_171, %mul3A_172 : vector<56x768xf32>
    %max3A_174 = arith.maximumf %max3A_168, %mul3A_173 : vector<56x768xf32>
    %slice3A_175 = vector.extract_strided_slice %select_n3A_54 {offsets = [0, 20], sizes = [56, 1], strides = [1, 1]} : vector<56x50xf32> to vector<56x1xf32>
    %slice3A_176 = vector.extract_strided_slice %select_n3A_49 {offsets = [20, 0], sizes = [1, 768], strides = [1, 1]} : vector<64x768xf32> to vector<1x768xf32>
    %mul3A_177 = vector.broadcast %slice3A_175 : vector<56x1xf32> to vector<56x768xf32>
    %mul3A_178 = vector.broadcast %slice3A_176 : vector<1x768xf32> to vector<56x768xf32>
    %mul3A_179 = arith.mulf %mul3A_177, %mul3A_178 : vector<56x768xf32>
    %max3A_180 = arith.maximumf %max3A_174, %mul3A_179 : vector<56x768xf32>
    %slice3A_181 = vector.extract_strided_slice %select_n3A_54 {offsets = [0, 21], sizes = [56, 1], strides = [1, 1]} : vector<56x50xf32> to vector<56x1xf32>
    %slice3A_182 = vector.extract_strided_slice %select_n3A_49 {offsets = [21, 0], sizes = [1, 768], strides = [1, 1]} : vector<64x768xf32> to vector<1x768xf32>
    %mul3A_183 = vector.broadcast %slice3A_181 : vector<56x1xf32> to vector<56x768xf32>
    %mul3A_184 = vector.broadcast %slice3A_182 : vector<1x768xf32> to vector<56x768xf32>
    %mul3A_185 = arith.mulf %mul3A_183, %mul3A_184 : vector<56x768xf32>
    %max3A_186 = arith.maximumf %max3A_180, %mul3A_185 : vector<56x768xf32>
    %slice3A_187 = vector.extract_strided_slice %select_n3A_54 {offsets = [0, 22], sizes = [56, 1], strides = [1, 1]} : vector<56x50xf32> to vector<56x1xf32>
    %slice3A_188 = vector.extract_strided_slice %select_n3A_49 {offsets = [22, 0], sizes = [1, 768], strides = [1, 1]} : vector<64x768xf32> to vector<1x768xf32>
    %mul3A_189 = vector.broadcast %slice3A_187 : vector<56x1xf32> to vector<56x768xf32>
    %mul3A_190 = vector.broadcast %slice3A_188 : vector<1x768xf32> to vector<56x768xf32>
    %mul3A_191 = arith.mulf %mul3A_189, %mul3A_190 : vector<56x768xf32>
    %max3A_192 = arith.maximumf %max3A_186, %mul3A_191 : vector<56x768xf32>
    %slice3A_193 = vector.extract_strided_slice %select_n3A_54 {offsets = [0, 23], sizes = [56, 1], strides = [1, 1]} : vector<56x50xf32> to vector<56x1xf32>
    %slice3A_194 = vector.extract_strided_slice %select_n3A_49 {offsets = [23, 0], sizes = [1, 768], strides = [1, 1]} : vector<64x768xf32> to vector<1x768xf32>
    %mul3A_195 = vector.broadcast %slice3A_193 : vector<56x1xf32> to vector<56x768xf32>
    %mul3A_196 = vector.broadcast %slice3A_194 : vector<1x768xf32> to vector<56x768xf32>
    %mul3A_197 = arith.mulf %mul3A_195, %mul3A_196 : vector<56x768xf32>
    %max3A_198 = arith.maximumf %max3A_192, %mul3A_197 : vector<56x768xf32>
    %slice3A_199 = vector.extract_strided_slice %select_n3A_54 {offsets = [0, 24], sizes = [56, 1], strides = [1, 1]} : vector<56x50xf32> to vector<56x1xf32>
    %slice3A_200 = vector.extract_strided_slice %select_n3A_49 {offsets = [24, 0], sizes = [1, 768], strides = [1, 1]} : vector<64x768xf32> to vector<1x768xf32>
    %mul3A_201 = vector.broadcast %slice3A_199 : vector<56x1xf32> to vector<56x768xf32>
    %mul3A_202 = vector.broadcast %slice3A_200 : vector<1x768xf32> to vector<56x768xf32>
    %mul3A_203 = arith.mulf %mul3A_201, %mul3A_202 : vector<56x768xf32>
    %max3A_204 = arith.maximumf %max3A_198, %mul3A_203 : vector<56x768xf32>
    %slice3A_205 = vector.extract_strided_slice %select_n3A_54 {offsets = [0, 25], sizes = [56, 1], strides = [1, 1]} : vector<56x50xf32> to vector<56x1xf32>
    %slice3A_206 = vector.extract_strided_slice %select_n3A_49 {offsets = [25, 0], sizes = [1, 768], strides = [1, 1]} : vector<64x768xf32> to vector<1x768xf32>
    %mul3A_207 = vector.broadcast %slice3A_205 : vector<56x1xf32> to vector<56x768xf32>
    %mul3A_208 = vector.broadcast %slice3A_206 : vector<1x768xf32> to vector<56x768xf32>
    %mul3A_209 = arith.mulf %mul3A_207, %mul3A_208 : vector<56x768xf32>
    %max3A_210 = arith.maximumf %max3A_204, %mul3A_209 : vector<56x768xf32>
    %slice3A_211 = vector.extract_strided_slice %select_n3A_54 {offsets = [0, 26], sizes = [56, 1], strides = [1, 1]} : vector<56x50xf32> to vector<56x1xf32>
    %slice3A_212 = vector.extract_strided_slice %select_n3A_49 {offsets = [26, 0], sizes = [1, 768], strides = [1, 1]} : vector<64x768xf32> to vector<1x768xf32>
    %mul3A_213 = vector.broadcast %slice3A_211 : vector<56x1xf32> to vector<56x768xf32>
    %mul3A_214 = vector.broadcast %slice3A_212 : vector<1x768xf32> to vector<56x768xf32>
    %mul3A_215 = arith.mulf %mul3A_213, %mul3A_214 : vector<56x768xf32>
    %max3A_216 = arith.maximumf %max3A_210, %mul3A_215 : vector<56x768xf32>
    %slice3A_217 = vector.extract_strided_slice %select_n3A_54 {offsets = [0, 27], sizes = [56, 1], strides = [1, 1]} : vector<56x50xf32> to vector<56x1xf32>
    %slice3A_218 = vector.extract_strided_slice %select_n3A_49 {offsets = [27, 0], sizes = [1, 768], strides = [1, 1]} : vector<64x768xf32> to vector<1x768xf32>
    %mul3A_219 = vector.broadcast %slice3A_217 : vector<56x1xf32> to vector<56x768xf32>
    %mul3A_220 = vector.broadcast %slice3A_218 : vector<1x768xf32> to vector<56x768xf32>
    %mul3A_221 = arith.mulf %mul3A_219, %mul3A_220 : vector<56x768xf32>
    %max3A_222 = arith.maximumf %max3A_216, %mul3A_221 : vector<56x768xf32>
    %slice3A_223 = vector.extract_strided_slice %select_n3A_54 {offsets = [0, 28], sizes = [56, 1], strides = [1, 1]} : vector<56x50xf32> to vector<56x1xf32>
    %slice3A_224 = vector.extract_strided_slice %select_n3A_49 {offsets = [28, 0], sizes = [1, 768], strides = [1, 1]} : vector<64x768xf32> to vector<1x768xf32>
    %mul3A_225 = vector.broadcast %slice3A_223 : vector<56x1xf32> to vector<56x768xf32>
    %mul3A_226 = vector.broadcast %slice3A_224 : vector<1x768xf32> to vector<56x768xf32>
    %mul3A_227 = arith.mulf %mul3A_225, %mul3A_226 : vector<56x768xf32>
    %max3A_228 = arith.maximumf %max3A_222, %mul3A_227 : vector<56x768xf32>
    %slice3A_229 = vector.extract_strided_slice %select_n3A_54 {offsets = [0, 29], sizes = [56, 1], strides = [1, 1]} : vector<56x50xf32> to vector<56x1xf32>
    %slice3A_230 = vector.extract_strided_slice %select_n3A_49 {offsets = [29, 0], sizes = [1, 768], strides = [1, 1]} : vector<64x768xf32> to vector<1x768xf32>
    %mul3A_231 = vector.broadcast %slice3A_229 : vector<56x1xf32> to vector<56x768xf32>
    %mul3A_232 = vector.broadcast %slice3A_230 : vector<1x768xf32> to vector<56x768xf32>
    %mul3A_233 = arith.mulf %mul3A_231, %mul3A_232 : vector<56x768xf32>
    %max3A_234 = arith.maximumf %max3A_228, %mul3A_233 : vector<56x768xf32>
    %slice3A_235 = vector.extract_strided_slice %select_n3A_54 {offsets = [0, 30], sizes = [56, 1], strides = [1, 1]} : vector<56x50xf32> to vector<56x1xf32>
    %slice3A_236 = vector.extract_strided_slice %select_n3A_49 {offsets = [30, 0], sizes = [1, 768], strides = [1, 1]} : vector<64x768xf32> to vector<1x768xf32>
    %mul3A_237 = vector.broadcast %slice3A_235 : vector<56x1xf32> to vector<56x768xf32>
    %mul3A_238 = vector.broadcast %slice3A_236 : vector<1x768xf32> to vector<56x768xf32>
    %mul3A_239 = arith.mulf %mul3A_237, %mul3A_238 : vector<56x768xf32>
    %max3A_240 = arith.maximumf %max3A_234, %mul3A_239 : vector<56x768xf32>
    %slice3A_241 = vector.extract_strided_slice %select_n3A_54 {offsets = [0, 31], sizes = [56, 1], strides = [1, 1]} : vector<56x50xf32> to vector<56x1xf32>
    %slice3A_242 = vector.extract_strided_slice %select_n3A_49 {offsets = [31, 0], sizes = [1, 768], strides = [1, 1]} : vector<64x768xf32> to vector<1x768xf32>
    %mul3A_243 = vector.broadcast %slice3A_241 : vector<56x1xf32> to vector<56x768xf32>
    %mul3A_244 = vector.broadcast %slice3A_242 : vector<1x768xf32> to vector<56x768xf32>
    %mul3A_245 = arith.mulf %mul3A_243, %mul3A_244 : vector<56x768xf32>
    %max3A_246 = arith.maximumf %max3A_240, %mul3A_245 : vector<56x768xf32>
    %slice3A_247 = vector.extract_strided_slice %select_n3A_54 {offsets = [0, 32], sizes = [56, 1], strides = [1, 1]} : vector<56x50xf32> to vector<56x1xf32>
    %slice3A_248 = vector.extract_strided_slice %select_n3A_49 {offsets = [32, 0], sizes = [1, 768], strides = [1, 1]} : vector<64x768xf32> to vector<1x768xf32>
    %mul3A_249 = vector.broadcast %slice3A_247 : vector<56x1xf32> to vector<56x768xf32>
    %mul3A_250 = vector.broadcast %slice3A_248 : vector<1x768xf32> to vector<56x768xf32>
    %mul3A_251 = arith.mulf %mul3A_249, %mul3A_250 : vector<56x768xf32>
    %max3A_252 = arith.maximumf %max3A_246, %mul3A_251 : vector<56x768xf32>
    %slice3A_253 = vector.extract_strided_slice %select_n3A_54 {offsets = [0, 33], sizes = [56, 1], strides = [1, 1]} : vector<56x50xf32> to vector<56x1xf32>
    %slice3A_254 = vector.extract_strided_slice %select_n3A_49 {offsets = [33, 0], sizes = [1, 768], strides = [1, 1]} : vector<64x768xf32> to vector<1x768xf32>
    %mul3A_255 = vector.broadcast %slice3A_253 : vector<56x1xf32> to vector<56x768xf32>
    %mul3A_256 = vector.broadcast %slice3A_254 : vector<1x768xf32> to vector<56x768xf32>
    %mul3A_257 = arith.mulf %mul3A_255, %mul3A_256 : vector<56x768xf32>
    %max3A_258 = arith.maximumf %max3A_252, %mul3A_257 : vector<56x768xf32>
    %slice3A_259 = vector.extract_strided_slice %select_n3A_54 {offsets = [0, 34], sizes = [56, 1], strides = [1, 1]} : vector<56x50xf32> to vector<56x1xf32>
    %slice3A_260 = vector.extract_strided_slice %select_n3A_49 {offsets = [34, 0], sizes = [1, 768], strides = [1, 1]} : vector<64x768xf32> to vector<1x768xf32>
    %mul3A_261 = vector.broadcast %slice3A_259 : vector<56x1xf32> to vector<56x768xf32>
    %mul3A_262 = vector.broadcast %slice3A_260 : vector<1x768xf32> to vector<56x768xf32>
    %mul3A_263 = arith.mulf %mul3A_261, %mul3A_262 : vector<56x768xf32>
    %max3A_264 = arith.maximumf %max3A_258, %mul3A_263 : vector<56x768xf32>
    %slice3A_265 = vector.extract_strided_slice %select_n3A_54 {offsets = [0, 35], sizes = [56, 1], strides = [1, 1]} : vector<56x50xf32> to vector<56x1xf32>
    %slice3A_266 = vector.extract_strided_slice %select_n3A_49 {offsets = [35, 0], sizes = [1, 768], strides = [1, 1]} : vector<64x768xf32> to vector<1x768xf32>
    %mul3A_267 = vector.broadcast %slice3A_265 : vector<56x1xf32> to vector<56x768xf32>
    %mul3A_268 = vector.broadcast %slice3A_266 : vector<1x768xf32> to vector<56x768xf32>
    %mul3A_269 = arith.mulf %mul3A_267, %mul3A_268 : vector<56x768xf32>
    %max3A_270 = arith.maximumf %max3A_264, %mul3A_269 : vector<56x768xf32>
    %slice3A_271 = vector.extract_strided_slice %select_n3A_54 {offsets = [0, 36], sizes = [56, 1], strides = [1, 1]} : vector<56x50xf32> to vector<56x1xf32>
    %slice3A_272 = vector.extract_strided_slice %select_n3A_49 {offsets = [36, 0], sizes = [1, 768], strides = [1, 1]} : vector<64x768xf32> to vector<1x768xf32>
    %mul3A_273 = vector.broadcast %slice3A_271 : vector<56x1xf32> to vector<56x768xf32>
    %mul3A_274 = vector.broadcast %slice3A_272 : vector<1x768xf32> to vector<56x768xf32>
    %mul3A_275 = arith.mulf %mul3A_273, %mul3A_274 : vector<56x768xf32>
    %max3A_276 = arith.maximumf %max3A_270, %mul3A_275 : vector<56x768xf32>
    %slice3A_277 = vector.extract_strided_slice %select_n3A_54 {offsets = [0, 37], sizes = [56, 1], strides = [1, 1]} : vector<56x50xf32> to vector<56x1xf32>
    %slice3A_278 = vector.extract_strided_slice %select_n3A_49 {offsets = [37, 0], sizes = [1, 768], strides = [1, 1]} : vector<64x768xf32> to vector<1x768xf32>
    %mul3A_279 = vector.broadcast %slice3A_277 : vector<56x1xf32> to vector<56x768xf32>
    %mul3A_280 = vector.broadcast %slice3A_278 : vector<1x768xf32> to vector<56x768xf32>
    %mul3A_281 = arith.mulf %mul3A_279, %mul3A_280 : vector<56x768xf32>
    %max3A_282 = arith.maximumf %max3A_276, %mul3A_281 : vector<56x768xf32>
    %slice3A_283 = vector.extract_strided_slice %select_n3A_54 {offsets = [0, 38], sizes = [56, 1], strides = [1, 1]} : vector<56x50xf32> to vector<56x1xf32>
    %slice3A_284 = vector.extract_strided_slice %select_n3A_49 {offsets = [38, 0], sizes = [1, 768], strides = [1, 1]} : vector<64x768xf32> to vector<1x768xf32>
    %mul3A_285 = vector.broadcast %slice3A_283 : vector<56x1xf32> to vector<56x768xf32>
    %mul3A_286 = vector.broadcast %slice3A_284 : vector<1x768xf32> to vector<56x768xf32>
    %mul3A_287 = arith.mulf %mul3A_285, %mul3A_286 : vector<56x768xf32>
    %max3A_288 = arith.maximumf %max3A_282, %mul3A_287 : vector<56x768xf32>
    %slice3A_289 = vector.extract_strided_slice %select_n3A_54 {offsets = [0, 39], sizes = [56, 1], strides = [1, 1]} : vector<56x50xf32> to vector<56x1xf32>
    %slice3A_290 = vector.extract_strided_slice %select_n3A_49 {offsets = [39, 0], sizes = [1, 768], strides = [1, 1]} : vector<64x768xf32> to vector<1x768xf32>
    %mul3A_291 = vector.broadcast %slice3A_289 : vector<56x1xf32> to vector<56x768xf32>
    %mul3A_292 = vector.broadcast %slice3A_290 : vector<1x768xf32> to vector<56x768xf32>
    %mul3A_293 = arith.mulf %mul3A_291, %mul3A_292 : vector<56x768xf32>
    %max3A_294 = arith.maximumf %max3A_288, %mul3A_293 : vector<56x768xf32>
    %slice3A_295 = vector.extract_strided_slice %select_n3A_54 {offsets = [0, 40], sizes = [56, 1], strides = [1, 1]} : vector<56x50xf32> to vector<56x1xf32>
    %slice3A_296 = vector.extract_strided_slice %select_n3A_49 {offsets = [40, 0], sizes = [1, 768], strides = [1, 1]} : vector<64x768xf32> to vector<1x768xf32>
    %mul3A_297 = vector.broadcast %slice3A_295 : vector<56x1xf32> to vector<56x768xf32>
    %mul3A_298 = vector.broadcast %slice3A_296 : vector<1x768xf32> to vector<56x768xf32>
    %mul3A_299 = arith.mulf %mul3A_297, %mul3A_298 : vector<56x768xf32>
    %max3A_300 = arith.maximumf %max3A_294, %mul3A_299 : vector<56x768xf32>
    %slice3A_301 = vector.extract_strided_slice %select_n3A_54 {offsets = [0, 41], sizes = [56, 1], strides = [1, 1]} : vector<56x50xf32> to vector<56x1xf32>
    %slice3A_302 = vector.extract_strided_slice %select_n3A_49 {offsets = [41, 0], sizes = [1, 768], strides = [1, 1]} : vector<64x768xf32> to vector<1x768xf32>
    %mul3A_303 = vector.broadcast %slice3A_301 : vector<56x1xf32> to vector<56x768xf32>
    %mul3A_304 = vector.broadcast %slice3A_302 : vector<1x768xf32> to vector<56x768xf32>
    %mul3A_305 = arith.mulf %mul3A_303, %mul3A_304 : vector<56x768xf32>
    %max3A_306 = arith.maximumf %max3A_300, %mul3A_305 : vector<56x768xf32>
    %slice3A_307 = vector.extract_strided_slice %select_n3A_54 {offsets = [0, 42], sizes = [56, 1], strides = [1, 1]} : vector<56x50xf32> to vector<56x1xf32>
    %slice3A_308 = vector.extract_strided_slice %select_n3A_49 {offsets = [42, 0], sizes = [1, 768], strides = [1, 1]} : vector<64x768xf32> to vector<1x768xf32>
    %mul3A_309 = vector.broadcast %slice3A_307 : vector<56x1xf32> to vector<56x768xf32>
    %mul3A_310 = vector.broadcast %slice3A_308 : vector<1x768xf32> to vector<56x768xf32>
    %mul3A_311 = arith.mulf %mul3A_309, %mul3A_310 : vector<56x768xf32>
    %max3A_312 = arith.maximumf %max3A_306, %mul3A_311 : vector<56x768xf32>
    %slice3A_313 = vector.extract_strided_slice %select_n3A_54 {offsets = [0, 43], sizes = [56, 1], strides = [1, 1]} : vector<56x50xf32> to vector<56x1xf32>
    %slice3A_314 = vector.extract_strided_slice %select_n3A_49 {offsets = [43, 0], sizes = [1, 768], strides = [1, 1]} : vector<64x768xf32> to vector<1x768xf32>
    %mul3A_315 = vector.broadcast %slice3A_313 : vector<56x1xf32> to vector<56x768xf32>
    %mul3A_316 = vector.broadcast %slice3A_314 : vector<1x768xf32> to vector<56x768xf32>
    %mul3A_317 = arith.mulf %mul3A_315, %mul3A_316 : vector<56x768xf32>
    %max3A_318 = arith.maximumf %max3A_312, %mul3A_317 : vector<56x768xf32>
    %slice3A_319 = vector.extract_strided_slice %select_n3A_54 {offsets = [0, 44], sizes = [56, 1], strides = [1, 1]} : vector<56x50xf32> to vector<56x1xf32>
    %slice3A_320 = vector.extract_strided_slice %select_n3A_49 {offsets = [44, 0], sizes = [1, 768], strides = [1, 1]} : vector<64x768xf32> to vector<1x768xf32>
    %mul3A_321 = vector.broadcast %slice3A_319 : vector<56x1xf32> to vector<56x768xf32>
    %mul3A_322 = vector.broadcast %slice3A_320 : vector<1x768xf32> to vector<56x768xf32>
    %mul3A_323 = arith.mulf %mul3A_321, %mul3A_322 : vector<56x768xf32>
    %max3A_324 = arith.maximumf %max3A_318, %mul3A_323 : vector<56x768xf32>
    %slice3A_325 = vector.extract_strided_slice %select_n3A_54 {offsets = [0, 45], sizes = [56, 1], strides = [1, 1]} : vector<56x50xf32> to vector<56x1xf32>
    %slice3A_326 = vector.extract_strided_slice %select_n3A_49 {offsets = [45, 0], sizes = [1, 768], strides = [1, 1]} : vector<64x768xf32> to vector<1x768xf32>
    %mul3A_327 = vector.broadcast %slice3A_325 : vector<56x1xf32> to vector<56x768xf32>
    %mul3A_328 = vector.broadcast %slice3A_326 : vector<1x768xf32> to vector<56x768xf32>
    %mul3A_329 = arith.mulf %mul3A_327, %mul3A_328 : vector<56x768xf32>
    %max3A_330 = arith.maximumf %max3A_324, %mul3A_329 : vector<56x768xf32>
    %slice3A_331 = vector.extract_strided_slice %select_n3A_54 {offsets = [0, 46], sizes = [56, 1], strides = [1, 1]} : vector<56x50xf32> to vector<56x1xf32>
    %slice3A_332 = vector.extract_strided_slice %select_n3A_49 {offsets = [46, 0], sizes = [1, 768], strides = [1, 1]} : vector<64x768xf32> to vector<1x768xf32>
    %mul3A_333 = vector.broadcast %slice3A_331 : vector<56x1xf32> to vector<56x768xf32>
    %mul3A_334 = vector.broadcast %slice3A_332 : vector<1x768xf32> to vector<56x768xf32>
    %mul3A_335 = arith.mulf %mul3A_333, %mul3A_334 : vector<56x768xf32>
    %max3A_336 = arith.maximumf %max3A_330, %mul3A_335 : vector<56x768xf32>
    %slice3A_337 = vector.extract_strided_slice %select_n3A_54 {offsets = [0, 47], sizes = [56, 1], strides = [1, 1]} : vector<56x50xf32> to vector<56x1xf32>
    %slice3A_338 = vector.extract_strided_slice %select_n3A_49 {offsets = [47, 0], sizes = [1, 768], strides = [1, 1]} : vector<64x768xf32> to vector<1x768xf32>
    %mul3A_339 = vector.broadcast %slice3A_337 : vector<56x1xf32> to vector<56x768xf32>
    %mul3A_340 = vector.broadcast %slice3A_338 : vector<1x768xf32> to vector<56x768xf32>
    %mul3A_341 = arith.mulf %mul3A_339, %mul3A_340 : vector<56x768xf32>
    %max3A_342 = arith.maximumf %max3A_336, %mul3A_341 : vector<56x768xf32>
    %slice3A_343 = vector.extract_strided_slice %select_n3A_54 {offsets = [0, 48], sizes = [56, 1], strides = [1, 1]} : vector<56x50xf32> to vector<56x1xf32>
    %slice3A_344 = vector.extract_strided_slice %select_n3A_49 {offsets = [48, 0], sizes = [1, 768], strides = [1, 1]} : vector<64x768xf32> to vector<1x768xf32>
    %mul3A_345 = vector.broadcast %slice3A_343 : vector<56x1xf32> to vector<56x768xf32>
    %mul3A_346 = vector.broadcast %slice3A_344 : vector<1x768xf32> to vector<56x768xf32>
    %mul3A_347 = arith.mulf %mul3A_345, %mul3A_346 : vector<56x768xf32>
    %max3A_348 = arith.maximumf %max3A_342, %mul3A_347 : vector<56x768xf32>
    %slice3A_349 = vector.extract_strided_slice %select_n3A_54 {offsets = [0, 49], sizes = [56, 1], strides = [1, 1]} : vector<56x50xf32> to vector<56x1xf32>
    %slice3A_350 = vector.extract_strided_slice %select_n3A_49 {offsets = [49, 0], sizes = [1, 768], strides = [1, 1]} : vector<64x768xf32> to vector<1x768xf32>
    %mul3A_351 = vector.broadcast %slice3A_349 : vector<56x1xf32> to vector<56x768xf32>
    %mul3A_352 = vector.broadcast %slice3A_350 : vector<1x768xf32> to vector<56x768xf32>
    %mul3A_353 = arith.mulf %mul3A_351, %mul3A_352 : vector<56x768xf32>
    %max3A_354 = arith.maximumf %max3A_348, %mul3A_353 : vector<56x768xf32>
    %get3A_355 = arith.constant 0 : index
    %get3A_356 = arith.constant 0 : index
    %get3A_357 = vector.load %arg5[%get3A_355, %get3A_356] : memref<1x1xf32, #tpu.memory_space<vmem>>, vector<1x1xf32>
    %slice3A_358 = vector.extract_strided_slice %get3A_40 {offsets = [0, 0], sizes = [56, 768], strides = [1, 1]} : vector<64x768xf32> to vector<56x768xf32>
    %mul3A_359 = vector.broadcast %get3A_357 : vector<1x1xf32> to vector<56x768xf32>
    %mul3A_360 = arith.mulf %mul3A_359, %slice3A_358 : vector<56x768xf32>
    %sub3A = arith.constant 1.000000e+00 : f32
    %sub3A_361 = vector.broadcast %sub3A : f32 to vector<1x1xf32>
    %sub3A_362 = arith.subf %sub3A_361, %get3A_357 : vector<1x1xf32>
    %mul3A_363 = vector.broadcast %sub3A_362 : vector<1x1xf32> to vector<56x768xf32>
    %mul3A_364 = arith.mulf %mul3A_363, %max3A_354 : vector<56x768xf32>
    %add3A = arith.addf %mul3A_360, %mul3A_364 : vector<56x768xf32>
    %slice3A_365 = vector.extract_strided_slice %and3A_22 {offsets = [0, 0], sizes = [56, 1], strides = [1, 1]} : vector<64x1xi1> to vector<56x1xi1>
    %jit3A_366 = arith.constant 1.000000e+00 : f32
    %jit3A_367 = arith.constant 0.000000e+00 : f32
    %broadcast_in_dim3A_368 = vector.broadcast %jit3A_366 : f32 to vector<56x1xf32>
    %broadcast_in_dim3A_369 = vector.broadcast %jit3A_367 : f32 to vector<56x1xf32>
    %select_n3A_370 = arith.select %slice3A_365, %broadcast_in_dim3A_368, %broadcast_in_dim3A_369 : vector<56x1xi1>, vector<56x1xf32>
    %jit3A_371 = arith.constant 1.000000e+00 : f32
    %jit3A_372 = arith.constant 0.000000e+00 : f32
    %broadcast_in_dim3A_373 = vector.broadcast %jit3A_371 : f32 to vector<1x64xf32>
    %broadcast_in_dim3A_374 = vector.broadcast %jit3A_372 : f32 to vector<1x64xf32>
    %select_n3A_375 = arith.select %and3A_35, %broadcast_in_dim3A_373, %broadcast_in_dim3A_374 : vector<1x64xi1>, vector<1x64xf32>
    %reduce_sum3A_376 = vector.shape_cast %select_n3A_375 : vector<1x64xf32> to vector<1x1x64xf32>
    %reduce_sum3A_377 = arith.constant dense<0.000000e+00> : vector<1xf32>
    %reduce_sum3A_378 = vector.multi_reduction <add>, %reduce_sum3A_376, %reduce_sum3A_377 [1, 2] : vector<1x1x64xf32> to vector<1xf32>
    %reduce_sum3A_379 = vector.shape_cast %reduce_sum3A_378 : vector<1xf32> to vector<1x1x1xf32>
    %reduce_sum3A_380 = vector.extract %reduce_sum3A_379[0, 0, 0] : f32 from vector<1x1x1xf32>
    %max3A_381 = arith.constant 1.000000e+00 : f32
    %max3A_382 = arith.maximumf %reduce_sum3A_380, %max3A_381 : f32
    %mul3A_383 = vector.broadcast %select_n3A_370 : vector<56x1xf32> to vector<56x768xf32>
    %mul3A_384 = arith.mulf %add3A, %mul3A_383 : vector<56x768xf32>
    %reduce_sum3A_385 = arith.constant dense<0.000000e+00> : vector<768xf32>
    %reduce_sum3A_386 = vector.multi_reduction <add>, %mul3A_384, %reduce_sum3A_385 [0] : vector<56x768xf32> to vector<768xf32>
    %broadcast_in_dim3A_387 = vector.shape_cast %reduce_sum3A_386 : vector<768xf32> to vector<1x768xf32>
    %div3A = vector.broadcast %max3A_382 : f32 to vector<1x768xf32>
    %div3A_388 = arith.divf %broadcast_in_dim3A_387, %div3A : vector<1x768xf32>
    %get3A_389 = arith.constant 0 : index
    %get3A_390 = arith.constant 0 : index
    %get3A_391 = vector.load %arg6[%get3A_389, %get3A_390] : memref<768x768xf32, #tpu.memory_space<vmem>>, vector<768x768xf32>
    %dot_general3A = arith.constant dense<0.000000e+00> : vector<1x768xf32>
    %dot_general3A_392 = tpu.matmul %div3A_388, %get3A_391, %dot_general3A {dimension_numbers = #tpu.dot_dimension_numbers<[1], [1], [0], [0], [0, 0, 1, 0], [], []>, transpose_lhs_hint = false} : vector<1x768xf32>, vector<768x768xf32>, vector<1x768xf32> -> vector<1x768xf32>
    %get3A_393 = arith.constant 0 : index
    %get3A_394 = arith.constant 0 : index
    %get3A_395 = vector.load %arg7[%get3A_393, %get3A_394] : memref<1x768xf32, #tpu.memory_space<vmem>>, vector<1x768xf32>
    %add3A_396 = arith.addf %dot_general3A_392, %get3A_395 : vector<1x768xf32>
    %neg3A = arith.constant 0.000000e+00 : f32
    %neg3A_397 = vector.broadcast %neg3A : f32 to vector<1x768xf32>
    %neg3A_398 = arith.subf %neg3A_397, %add3A_396 : vector<1x768xf32>
    %exp3A = math.exp %neg3A_398 : vector<1x768xf32>
    %add3A_399 = arith.constant 1.000000e+00 : f32
    %add3A_400 = vector.broadcast %add3A_399 : f32 to vector<1x768xf32>
    %add3A_401 = arith.addf %add3A_400, %exp3A : vector<1x768xf32>
    %div3A_402 = arith.constant 1.000000e+00 : f32
    %div3A_403 = vector.broadcast %div3A_402 : f32 to vector<1x768xf32>
    %div3A_404 = arith.divf %div3A_403, %add3A_401 : vector<1x768xf32>
    %swap3A = arith.constant 0 : index
    %swap3A_405 = arith.constant 0 : index
    %swap3A_406 = arith.constant 0 : index
    %swap3A_407 = vector.load %arg8[%swap3A, %swap3A_405, %swap3A_406] : memref<1x1x768xf32, #tpu.memory_space<vmem>>, vector<1x1x768xf32>
    %swap3A_408 = vector.shape_cast %swap3A_407 : vector<1x1x768xf32> to vector<1x768xf32>
    %swap3A_409 = vector.shape_cast %div3A_404 : vector<1x768xf32> to vector<1x1x768xf32>
    tpu.vector_store %arg8[%swap3A, %swap3A_405, %swap3A_406], %swap3A_409 {strides = array<i32>} : memref<1x1x768xf32, #tpu.memory_space<vmem>>, vector<1x1x768xf32>,
    return
  }
  func.func @transform_0(%arg0: i32) -> (i32, i32, i32) {
    %c0_i32 = arith.constant 0 : i32
    %c0_i32_0 = arith.constant 0 : i32
    %c0_i32_1 = arith.constant 0 : i32
    return %arg0, %c0_i32, %c0_i32_0 : i32, i32, i32
  }
  func.func @transform_1(%arg0: i32) -> (i32, i32, i32) {
    %c0_i32 = arith.constant 0 : i32
    %c0_i32_0 = arith.constant 0 : i32
    %c0_i32_1 = arith.constant 0 : i32
    return %arg0, %c0_i32, %c0_i32_0 : i32, i32, i32
  }
  func.func @transform_2(%arg0: i32) -> (i32, i32, i32) {
    %c0_i32 = arith.constant 0 : i32
    %c0_i32_0 = arith.constant 0 : i32
    %c0_i32_1 = arith.constant 0 : i32
    return %arg0, %c0_i32, %c0_i32_0 : i32, i32, i32
  }
  func.func @transform_3(%arg0: i32) -> (i32, i32, i32) {
    %c0_i32 = arith.constant 0 : i32
    %c0_i32_0 = arith.constant 0 : i32
    %c0_i32_1 = arith.constant 0 : i32
    return %arg0, %c0_i32, %c0_i32_0 : i32, i32, i32
  }
  func.func @transform_4(%arg0: i32) -> (i32, i32) {
    %c0_i32 = arith.constant 0 : i32
    %c0_i32_0 = arith.constant 0 : i32
    %c0_i32_1 = arith.constant 0 : i32
    return %c0_i32, %c0_i32_0 : i32, i32
  }
  func.func @transform_5(%arg0: i32) -> (i32, i32) {
    %c0_i32 = arith.constant 0 : i32
    %c0_i32_0 = arith.constant 0 : i32
    %c0_i32_1 = arith.constant 0 : i32
    return %c0_i32, %c0_i32_0 : i32, i32
  }
  func.func @transform_6(%arg0: i32) -> (i32, i32) {
    %c0_i32 = arith.constant 0 : i32
    %c0_i32_0 = arith.constant 0 : i32
    %c0_i32_1 = arith.constant 0 : i32
    return %c0_i32, %c0_i32_0 : i32, i32
  }
  func.func @transform_7(%arg0: i32) -> (i32, i32, i32) {
    %c0_i32 = arith.constant 0 : i32
    %c0_i32_0 = arith.constant 0 : i32
    %c0_i32_1 = arith.constant 0 : i32
    return %arg0, %c0_i32, %c0_i32_0 : i32, i32, i32
  }
}

</mosaic_0001>

<sc_bundles>
// kernel: kernel.5.cloned.1.call-start
scs
__scs_entry_jumppad:
0x0: {  	(pc) =	sbr.rel $0x88, $3  }
0x1: {  	(tag) =	ssettag $0x0;
	lr =	simm.s32 $0x1  }
0x2: {  	[smem:$0x3F9A] =	sst lr;
	_ =	strace $0xD0000000  }
0x3: {  	_ = 	snop  }
0x4: {  	_ = 	snop  }
0x5: {  	_ = 	snop  }
0x6: {  	_ = 	snop  }
0x7: {  	_ = 	snop  }
__scs_overlays_trampoline_lowered:
0x8: {  	[smem:$0x3FA9] =	sst s0  }
0x9: {  	[smem:$0x3FAA] =	sst s1  }
0xa: {  	[smem:$0x3FAB] =	sst s2  }
0xb: {  	[smem:$0x3FAC] =	sst s3  }
0xc: {  	[smem:$0x3FAD] =	sst s4  }
0xd: {  	[smem:$0x3FAE] =	sst s5  }
0xe: {  	[smem:$0x3FAF] =	sst s6  }
0xf: {  	[smem:$0x3FB0] =	sst s7  }
0x10: {  	[smem:$0x3FB1] =	sst s8  }
0x11: {  	[smem:$0x3FB2] =	sst s9;
	s0 =	simm.s32 @!p0 $0x0  }
0x12: {  	s1 =	sld [smem:$0x3F98];
	s0 =	simm.s32 @p0 $0x1  }
0x13: {  	[smem:$0x3FB3] =	sst s0;
	s0 =	simm.s32 @!p1 $0x0  }
0x14: {  	s2 =	sld [smem:$0x3F97];
	s0 =	simm.s32 @p1 $0x1  }
0x15: {  	[smem:$0x3FB4] =	sst s0;
	s0 =	simm.s32 @!p2 $0x0  }
0x16: {  	s3 =	sld [smem:$0x3FDB];
	s0 =	simm.s32 @p2 $0x1  }
0x17: {  	s4 =	simm.s32 $0x1BF5;
	[smem:$0x3FB6] =	sst s0  }
0x18: {  	s0 =	sld [smem:$0x3F99];
	_ =	swait.ge [sflag:s4], $0x0  }
0x19: {  	s7 =	sld [smem:$0x3F9A]  }
0x1a: {  	s8 =	sadd.s32 $0xFFFFE003, lr  }
0x1b: {  	s9 =	sadd.s32 $0xFFFFFEF7, lr;
	s5 =	simm.s32 $0xFFFFFFFF;
	p2 =	slt.u32 s8, $0xFFFFF086  }
0x1c: {  	p1 =	slt.u32 s9, $0xF7A;
	s5 =	simm.s32 @!p2 $0x0  }
0x1d: {  	s5 =	simm.s32 @p1 $0x1;
	p0 =	seq.s32 s7, s2  }
0x1e: {  	s7 =	smul.u32 @!p0 $0xF7A, s2;
	p2 =	seq.s32 @!p0 s5, $0x0  }
0x1f: {  	s9 =	smul.u32 $0xF7A, s1;
	s8 =	simm.s32 @!p0 $0x1BF5;
	p2 =	por !p2, p0  }
0x20: {  	[sflag:s8] =	ssyncset.s32 @!p0 $0xFFFFF086;
	s6 =	sadd.s32 @!p0 s3, s7;
	s7 =	simm.s32 @!p0 $0x108  }
0x21: {  	s3 =	sadd.s32 s3, s9;
	s6 =	sadd.s32 @!p0 $0x88, s6;
	s7 =	simm.s32 @p2 $0x1082  }
0x22: {  	[simem:s7], [sflag:s8] =	dma.local @!p0 [hbm:s6], $0xF7A  }
0x23: {  	s9 =	sor.u32 $0xD0000000, s2;
	s6 =	simm.s32 $0x108;
	_ =	swait.ge @!p0 [sflag:s8], $0x0  }
0x24: {  	s3 =	sadd.s32 $0x88, s3;
	s6 =	simm.s32 @!p1 $0x1082;
	[sflag:s4] =	ssyncset.s32 $0xFFFFF086  }
0x25: {  	[simem:s6], [sflag:s4] =	dma.local [hbm:s3], $0xF7A  }
0x26: {  	[smem:$0x3F9A] =	sst s1;
	(tag) =	ssettag s2;
	_ =	strace s9  }
0x27: {  	s1 =	sld [smem:$0x3FAA]  }
0x28: {  	s2 =	sld [smem:$0x3FAB]  }
0x29: {  	s4 =	sld [smem:$0x3FAD]  }
0x2a: {  	p0 =	seq.s32 s5, $0x0;
	s5 =	sld [smem:$0x3FAE]  }
0x2b: {  	s6 =	sld [smem:$0x3FAF]  }
0x2c: {  	s7 =	sld [smem:$0x3FB0]  }
0x2d: {  	s3 =	simm.s32 $0x108;
	s8 =	sld [smem:$0x3FB1]  }
0x2e: {  	s3 =	simm.s32 @!p0 $0x1082;
	s9 =	sld [smem:$0x3FB2]  }
0x2f: {  	lr =	sadd.s32 s0, s3;
	s0 =	sld [smem:$0x3FA9]  }
0x30: {  	s3 =	sld [smem:$0x3FAC]  }
0x31: {  	[smem:$0x3FB5] =	sst s10  }
0x32: {  	s10 =	sld [smem:$0x3FB3];
	_ =	sdelay $0x3  }
0x33: {  	p0 =	seq.s32 s10, $0x1;
	s10 =	sld [smem:$0x3FB5];
	_ =	sdelay $0x3  }
0x34: {  	[smem:$0x3FB5] =	sst s10  }
0x35: {  	s10 =	sld [smem:$0x3FB4];
	_ =	sdelay $0x3  }
0x36: {  	p1 =	seq.s32 s10, $0x1;
	s10 =	sld [smem:$0x3FB5];
	_ =	sdelay $0x3  }
0x37: {  	[smem:$0x3FB5] =	sst s10  }
0x38: {  	s10 =	sld [smem:$0x3FB6]  }
0x39: {  	_ = 	snop;
	(pc) =	sbr.ind lr, $3  }
0x3a: {  	_ = 	snop  }
0x3b: {  	_ = 	snop  }
0x3c: {  	p2 =	seq.s32 s10, $0x1;
	s10 =	sld [smem:$0x3FB5]  }
0x3d: {  	_ =	shalt  }
0x3e: {  	_ =	shalt  }
0x3f: {  	_ =	shalt  }
0x40: {  	_ =	shalt  }
0x41: {  	_ =	shalt  }
0x42: {  	_ =	shalt  }
0x43: {  	_ =	shalt  }
0x44: {  	_ =	shalt  }
0x45: {  	_ =	shalt  }
0x46: {  	_ =	shalt  }
0x47: {  	_ =	shalt  }
0x48: {  	_ =	shalt  }
0x49: {  	_ =	shalt  }
0x4a: {  	_ =	shalt  }
0x4b: {  	_ =	shalt  }
0x4c: {  	_ =	shalt  }
0x4d: {  	_ =	shalt  }
0x4e: {  	_ =	shalt  }
0x4f: {  	_ =	shalt  }
0x50: {  	_ =	shalt  }
0x51: {  	_ =	shalt  }
0x52: {  	_ =	shalt  }
0x53: {  	_ =	shalt  }
0x54: {  	_ =	shalt  }
0x55: {  	_ =	shalt  }
0x56: {  	_ =	shalt  }
0x57: {  	_ =	shalt  }
0x58: {  	_ =	shalt  }
0x59: {  	_ =	shalt  }
0x5a: {  	_ =	shalt  }
0x5b: {  	_ =	shalt  }
0x5c: {  	_ =	shalt  }
0x5d: {  	_ =	shalt  }
0x5e: {  	_ =	shalt  }
0x5f: {  	_ =	shalt  }
0x60: {  	_ =	shalt  }
0x61: {  	_ =	shalt  }
0x62: {  	_ =	shalt  }
0x63: {  	_ =	shalt  }
0x64: {  	_ =	shalt  }
0x65: {  	_ =	shalt  }
0x66: {  	_ =	shalt  }
0x67: {  	_ =	shalt  }
0x68: {  	_ =	shalt  }
0x69: {  	_ =	shalt  }
0x6a: {  	_ =	shalt  }
0x6b: {  	_ =	shalt  }
0x6c: {  	_ =	shalt  }
0x6d: {  	_ =	shalt  }
0x6e: {  	_ =	shalt  }
0x6f: {  	_ =	shalt  }
0x70: {  	_ =	shalt  }
0x71: {  	_ =	shalt  }
0x72: {  	_ =	shalt  }
0x73: {  	_ =	shalt  }
0x74: {  	_ =	shalt  }
0x75: {  	_ =	shalt  }
0x76: {  	_ =	shalt  }
0x77: {  	_ =	shalt  }
0x78: {  	_ =	shalt  }
0x79: {  	_ =	shalt  }
0x7a: {  	_ =	shalt  }
0x7b: {  	_ =	shalt  }
0x7c: {  	_ =	shalt  }
0x7d: {  	_ =	shalt  }
0x7e: {  	_ =	shalt  }
0x7f: {  	_ =	shalt  }
0x80: {  	_ =	shalt  }
0x81: {  	_ =	shalt  }
0x82: {  	_ =	shalt  }
0x83: {  	_ =	shalt  }
0x84: {  	_ =	shalt  }
0x85: {  	_ =	shalt  }
0x86: {  	_ =	shalt  }
0x87: {  	_ =	shalt  }
.Lfunc_end0:
.L_simem_size_0:
called_computation_lowered:
.L_overlay_start_0:
0x88: {  	s2 =	sld [smem:$0x3FD9]  }
0x89: {  	s3 =	sld [smem:$0x3FFE];
	_ =	sdelay $0x1  }
0x8a: {  	s1 =	srdreg.scid  }
0x8b: {  	s0 =	sand.u32 $0x1, s1  }
0x8c: {  	s17 =	sshll.u32 s0, $0xA;
	s2 =	sadd.s32 s3, s2  }
0x8d: {  	s2 =	sadd.s32 s2, s17  }
0x8e: {  	[smem:$0x3FC1] =	sst s2  }
0x8f: {  	_ = 	snop  }
0x90: {  	(tm) =	ssettm $0x1  }
0x91: {  	s18 =	sld [smem:$0x3FFB];
	_ =	sdelay $0x3  }
0x92: {  	_ =	strace s18  }
0x93: {  	s2 =	sld [smem:$0x3FFC];
	_ =	sdelay $0x3  }
0x94: {  	_ =	strace s2  }
0x95: {  	s2 =	sld [smem:$0x3FFD];
	_ =	sdelay $0x3  }
0x96: {  	_ =	strace s2  }
0x97: {  	_ =	strace $0x8FFFFFFF  }
0x98: {  	s19 =	sld [smem:$0x3FDB];
	_ =	sdelay $0x1  }
0x99: {  	s20 =	simm.s32 $_scs_section_size  }
0x9a: {  	s4 =	simm.s32 $_size__tile_overlayer_lowered;
	s5 =	simm.s32 $_tile_overlayer_lowered  }
0x9b: {  	s6 =	simm.s32 $0x1BFF;
	s21 =	sshll.u32 s5, $0x1;
	s3 =	sadd.s32 s20, s19  }
0x9c: {  	s22 =	simm.s32 $0x0;
	s4 =	sshll.u32 s4, $0x1;
	s5 =	sadd.s32 s21, s3  }
0x9d: {  	[timem:s22], [sflag:s6] =	dma.local [hbm:s5], s4  }
0x9e: {  	_ =	swait.ge [sflag:s6], s4  }
0x9f: {  	s4 =	ssub.s32 $0x0, s4;
	[sflag:s6] =	ssyncset.done $0x0  }
0xa0: {  	[sflag:s6] =	ssyncadd.s32 s4;
	_ =	sdelay $0x1  }
0xa1: {  	s23 =	simm.s32 $0x1B8B  }
0xa2: {  	_ =	swait.ge [sflag:s23], $0x1  }
0xa3: {  	[sflag:s23] =	ssyncset.done $0x0  }
0xa4: {  	[sflag:s23] =	ssyncadd.s32 $0xFFFFFFFF  }
0xa5: {  	s4 =	sld [smem:$0x0]  }
0xa6: {  	s5 =	sand.u32 $0xFFFFFFFE, s1  }
0xa7: {  	p0 =	sne.s32 s1, s5  }
0xa8: {  	s5 =	sshll.u32 @p0 s5, $0xE  }
0xa9: {  	s5 =	sadd.s32 @p0 $0x11B8D, s5;
	s6 =	sshll.u32 @p0 s4, $0x11  }
0xaa: {  	s5 =	sor.u32 @p0 s6, s5  }
0xab: {  	[sflag:s5] =	ssyncadd.remote.s32 @p0 $0x1;
	_ =	sdelay $0x1  }
0xac: {  	s5 =	simm.s32 @p0 $0x1B8D  }
0xad: {  	_ =	swait.eq @p0 [sflag:s5], $0x1  }
0xae: {  	[sflag:s5] =	ssyncadd.s32 @p0 $0xFFFFFFFF  }
0xaf: {  	s6 =	sshll.u32 @!p0 s1, $0xE  }
0xb0: {  	s6 =	sor.u32 @!p0 $0x4000, s6;
	s5 =	simm.s32 @!p0 $0x1B8D  }
0xb1: {  	s4 =	sshll.u32 @!p0 s4, $0x11;
	s6 =	sadd.s32 @!p0 $0x11B8D, s6;
	_ =	swait.eq @!p0 [sflag:s5], $0x1  }
0xb2: {  	s4 =	sor.u32 @!p0 s4, s6;
	[sflag:s5] =	ssyncadd.s32 @!p0 $0xFFFFFFFF  }
0xb3: {  	s25 =	simm.s32 $0x1B8E;
	s24 =	sld [smem:$0x3FFE];
	[sflag:s4] =	ssyncadd.remote.s32 @!p0 $0x1  }
0xb4: {  	s26 =	simm.s32 $execute0_lowered;
	[smem:$0x3FD2] =	sst s25  }
0xb5: {  	s5 =	sshll.u32 s26, $0x1;
	_ =	strace $0x80000049;
	[dreg:$0x1] =	wrdreg $0xFFFFFFFF  }
0xb6: {  	s28 =	simm.s32 $_size_execute0_lowered;
	s3 =	sadd.s32 s3, s5;
	[dreg:$0x0] =	wrdreg $0x0  }
0xb7: {  	s5 =	sshll.u32 s28, $0x1;
	[dreg:$0x2] =	wrdreg s3  }
0xb8: {  	[dreg:$0x3] =	wrdreg s5  }
0xb9: {  	[dreg:$0x4] =	wrdreg $0xC0  }
0xba: {  	_ =	task [dreg:s22], $0x5FFFF  }
0xbb: {  	[dreg:$0x1] =	wrdreg $0xFFFFFFFF  }
0xbc: {  	[dreg:$0x0] =	wrdreg $0x60  }
0xbd: {  	[dreg:$0x2] =	wrdreg s24  }
0xbe: {  	[dreg:$0x3] =	wrdreg $0x9  }
0xbf: {  	_ =	task.clear_ibuf [dreg:s22], $0x4FFFF;
	_ =	strace $0x90000049  }
0xc0: {  	s29 =	simm.s32 $0x9;
	_ =	strace $0x8000004B  }
0xc1: {  	_ =	swait.ge [sflag:s29], $0x1  }
0xc2: {  	[sflag:s29] =	ssyncadd.s32 $0xFFFFFFFF  }
0xc3: {  	_ =	strace $0x9000004B  }
0xc4: {  	_ =	sfence  }
0xc5: {  	s30 =	sld [smem:$0x0];
	_ =	sdelay $0x2  }
0xc6: {  	s31 =	sshll.u32 s1, $0xD;
	s1 =	sshrl.u32 s1, $0x2  }
0xc7: {  	s4 =	sand.u32 $0x4000, s31;
	s1 =	sadd.s32 s1, s30  }
0xc8: {  	s0 =	sor.u32 s4, s0;
	s1 =	sshll.u32 s1, $0x11  }
0xc9: {  	s0 =	sor.u32 s1, s0  }
0xca: {  	s0 =	sadd.s32 $0x8F2B, s0  }
0xcb: {  	[sflag:s0] =	ssyncadd.remote.s32 $0x1  }
0xcc: {  	_ =	sfence.sel $0xFFFF  }
0xcd: {  	[dreg:$0x0] =	wrdreg $0xFFFFFFFF;
	(pc) =	sbr.abs _section_cstart, $3  }
0xce: {  	[dreg:$0x1] =	wrdreg $0xFFFFFFFF  }
0xcf: {  	_ =	task.clear_ibuf [dreg:s22], $0x2FFFF;
	_ =	strace $0x9FFFFFFF  }
0xd0: {  	(tm) =	ssettm $0x7FFFFFFF  }
0xd1: {  	_ =	shalt  }
tec
execute0_lowered:
.L_overlay_start_1:
0x0: {  	(tag) =	ssettag $0x1  }
0x1: {  	s1 =	srdreg.scid  }
0x2: {  	s0 =	stileid.u32;
	s6 =	sand.u32 $0x1, s1  }
0x3: {  	s8 =	rddreg [dreg:$0x0];
	s30 =	sshll.u32 s0, $0x7;
	s2 =	sshll.u32 s6, $0x6  }
0x4: {  	s1 =	rddreg [dreg:$0x1];
	s5 =	sadd.s32 $0x305E00, s8;
	s7 =	sor.u32 s2, s30  }
0x5: {  	s10 =	ssub.s32 $0x2, s6;
	s2 =	simm.s32 $0x0;
	s3 =	sshrl.u32 s7, $0x3  }
0x6: {  	s6 =	simm.s32 $0x40;
	[smem:$0x7FF] =	sst s2;
	s3 =	sadd.s32 s3, s8  }
0x7: {  	_ =	strace $0x8000004A;
	s4 =	sadd.s32 $0x1E00, s3;
	s3 =	simm.s32 $0x2  }
0x8: {  	[tilespmem:s2], [sflag:$0x2] =	stream.linear.gather [hbm4b:s4+s2], $0x40, $0x38;
	[tilespmem:$0xC040] =	vst v63  }
0x9: {  	s11 =	sshrl.u32 s10, $0x1;
	s9 =	smul.u32 $0x60, s7;
	_ =	swait.ge [sflag:s3], $0x40  }
0xa: {  	s7 =	simm.s32 $0x1;
	s31 =	ssub.s32 s10, s11;
	[sflag:s3] =	ssyncset.done $0x0  }
0xb: {  	s8 =	sadd.s32 s9, s8;
	s9 =	smax.u32 s31, $0x1;
	[sflag:s3] =	ssyncadd.s32 $0xFFFFFFC0  }
0xc: {  	[tilespmem:s6], [sflag:$0x1] =	stream.indirect.gather [hbm4b:s5+s6], $0x300, s2, s6, $0xb8;
	[tilespmem:$0xC040] =	vst v63  }
0xd: {  	p0 =	sne.s32 s9, $0x1;
	_ =	swait.ge [sflag:s7], $0xC000  }
.Ltmp0:
0xe: {  	[sflag:s7] =	ssyncset.done $0x0;
	(pc) =	sbr.rel @!p0 .LBB2_2-.Ltmp0, $4  }
0xf: {  	s8 =	sadd.s32 $0x37B200, s8;
	[sflag:s7] =	ssyncadd.s32 $0xFFFF4000  }
0x10: {  	[hbm4b:s8+s2] =	stream.linear.scatter [tilespmem:s6], [sflag:$0x2], $0xC000, $0x38;
	[tilespmem:$0xC040] =	vst v63  }
0x11: {  	_ =	swait.ge [sflag:s3], $0xC000  }
0x12: {  	s9 =	sadd.s32 $0xFFFFFFFF, s9;
	[sflag:s3] =	ssyncset.done $0x0  }
.LBB2_1:
0x13: {  	p0 =	sne.s32 s9, $0x1;
	s9 =	sadd.s32 $0xFFFFFFFF, s9;
	[sflag:s3] =	ssyncadd.s32 $0xFFFF4000  }
0x14: {  	[tilespmem:s2], [sflag:$0x2] =	stream.linear.gather [hbm4b:s4+s2], $0x40, $0x38;
	[tilespmem:$0xC040] =	vst v63  }
0x15: {  	_ =	swait.ge [sflag:s3], $0x40  }
0x16: {  	[sflag:s3] =	ssyncset.done $0x0  }
0x17: {  	[sflag:s3] =	ssyncadd.s32 $0xFFFFFFC0  }
0x18: {  	[tilespmem:s6], [sflag:$0x1] =	stream.indirect.gather [hbm4b:s5+s6], $0x300, s2, s6, $0xb8;
	[tilespmem:$0xC040] =	vst v63  }
0x19: {  	_ =	swait.ge [sflag:s7], $0xC000  }
.Ltmp1:
0x1a: {  	[sflag:s7] =	ssyncset.done $0x0;
	(pc) =	sbr.rel @p0 .LBB2_1-.Ltmp1, $4  }
0x1b: {  	[sflag:s7] =	ssyncadd.s32 $0xFFFF4000  }
0x1c: {  	[hbm4b:s8+s2] =	stream.linear.scatter [tilespmem:s6], [sflag:$0x2], $0xC000, $0x38;
	[tilespmem:$0xC040] =	vst v63  }
0x1d: {  	_ =	swait.ge [sflag:s3], $0xC000  }
0x1e: {  	[sflag:s3] =	ssyncset.done $0x0  }
.LBB2_2:
0x1f: {  	[sflag:s3] =	ssyncadd.s32 $0xFFFF4000  }
0x20: {  	_ =	sfence.sel $0x180000  }
0x21: {  	[bflag:$0x0] =	sbarrier.arrive $0xFFFF  }
0x22: {  	p0 =	sne.s32 s0, $0x0;
	_ =	strace $0x9000004A  }
0x23: {  	s0 =	sadd.s32 @!p0 $0x100000, s1;
	[bflag:$0x2] =	sbarrier.arrive $0xFFFF  }
0x24: {  	[sflag:s0] =	ssyncadd.tile.s32 @!p0 $0x1;
	_ =	shalt  }
.Lfunc_end2:
_tile_overlayer_lowered:
.L_overlay_start_2:
0x25: {  	(tag) =	ssettag $0x2  }
0x26: {  	s0 =	rddreg [dreg:$0x0];
	s2 =	stileid.u32  }
0x27: {  	s1 =	rddreg [dreg:$0x1];
	p0 =	sne.s32 s2, $0x0  }
0x28: {  	s3 =	rddreg [dreg:$0x2];
	[bflag:$0x3] =	sbarrier.arrive $0xFFFF;
	s2 =	simm.s32 @!p0 $0x1C02  }
0x29: {  	[timem:s3], [sflag:s2] =	dma.local @!p0 [hbm:s0], s1  }
0x2a: {  	s0 =	simm.s32 @!p0 $0x2  }
0x2b: {  	_ =	swait.ge @!p0 [sflag:s0], s1  }
0x2c: {  	s1 =	ssub.s32 @!p0 $0x0, s1;
	[sflag:s0] =	ssyncset.done @!p0 $0x0  }
0x2d: {  	[sflag:s0] =	ssyncadd.s32 @!p0 s1  }
0x2e: {  	[bflag:$0x3] =	sbarrier.arrive $0xFFFF  }
0x2f: {  	_ =	shalt  }

// kernel: kernel.8.cloned.1.call-start
scs
__scs_entry_jumppad:
0x0: {  	(pc) =	sbr.rel $0x88, $3  }
0x1: {  	(tag) =	ssettag $0x0;
	lr =	simm.s32 $0x1  }
0x2: {  	[smem:$0x3F9A] =	sst lr;
	_ =	strace $0xD0000000  }
0x3: {  	_ = 	snop  }
0x4: {  	_ = 	snop  }
0x5: {  	_ = 	snop  }
0x6: {  	_ = 	snop  }
0x7: {  	_ = 	snop  }
__scs_overlays_trampoline_lowered:
0x8: {  	[smem:$0x3FA9] =	sst s0  }
0x9: {  	[smem:$0x3FAA] =	sst s1  }
0xa: {  	[smem:$0x3FAB] =	sst s2  }
0xb: {  	[smem:$0x3FAC] =	sst s3  }
0xc: {  	[smem:$0x3FAD] =	sst s4  }
0xd: {  	[smem:$0x3FAE] =	sst s5  }
0xe: {  	[smem:$0x3FAF] =	sst s6  }
0xf: {  	[smem:$0x3FB0] =	sst s7  }
0x10: {  	[smem:$0x3FB1] =	sst s8  }
0x11: {  	[smem:$0x3FB2] =	sst s9;
	s0 =	simm.s32 @!p0 $0x0  }
0x12: {  	s1 =	sld [smem:$0x3F98];
	s0 =	simm.s32 @p0 $0x1  }
0x13: {  	[smem:$0x3FB3] =	sst s0;
	s0 =	simm.s32 @!p1 $0x0  }
0x14: {  	s2 =	sld [smem:$0x3F97];
	s0 =	simm.s32 @p1 $0x1  }
0x15: {  	[smem:$0x3FB4] =	sst s0;
	s0 =	simm.s32 @!p2 $0x0  }
0x16: {  	s3 =	sld [smem:$0x3FDB];
	s0 =	simm.s32 @p2 $0x1  }
0x17: {  	s4 =	simm.s32 $0x1BF5;
	[smem:$0x3FB6] =	sst s0  }
0x18: {  	s0 =	sld [smem:$0x3F99];
	_ =	swait.ge [sflag:s4], $0x0  }
0x19: {  	s7 =	sld [smem:$0x3F9A]  }
0x1a: {  	s8 =	sadd.s32 $0xFFFFE003, lr  }
0x1b: {  	s9 =	sadd.s32 $0xFFFFFEF7, lr;
	s5 =	simm.s32 $0xFFFFFFFF;
	p2 =	slt.u32 s8, $0xFFFFF086  }
0x1c: {  	p1 =	slt.u32 s9, $0xF7A;
	s5 =	simm.s32 @!p2 $0x0  }
0x1d: {  	s5 =	simm.s32 @p1 $0x1;
	p0 =	seq.s32 s7, s2  }
0x1e: {  	s7 =	smul.u32 @!p0 $0xF7A, s2;
	p2 =	seq.s32 @!p0 s5, $0x0  }
0x1f: {  	s9 =	smul.u32 $0xF7A, s1;
	s8 =	simm.s32 @!p0 $0x1BF5;
	p2 =	por !p2, p0  }
0x20: {  	[sflag:s8] =	ssyncset.s32 @!p0 $0xFFFFF086;
	s6 =	sadd.s32 @!p0 s3, s7;
	s7 =	simm.s32 @!p0 $0x108  }
0x21: {  	s3 =	sadd.s32 s3, s9;
	s6 =	sadd.s32 @!p0 $0x88, s6;
	s7 =	simm.s32 @p2 $0x1082  }
0x22: {  	[simem:s7], [sflag:s8] =	dma.local @!p0 [hbm:s6], $0xF7A  }
0x23: {  	s9 =	sor.u32 $0xD0000000, s2;
	s6 =	simm.s32 $0x108;
	_ =	swait.ge @!p0 [sflag:s8], $0x0  }
0x24: {  	s3 =	sadd.s32 $0x88, s3;
	s6 =	simm.s32 @!p1 $0x1082;
	[sflag:s4] =	ssyncset.s32 $0xFFFFF086  }
0x25: {  	[simem:s6], [sflag:s4] =	dma.local [hbm:s3], $0xF7A  }
0x26: {  	[smem:$0x3F9A] =	sst s1;
	(tag) =	ssettag s2;
	_ =	strace s9  }
0x27: {  	s1 =	sld [smem:$0x3FAA]  }
0x28: {  	s2 =	sld [smem:$0x3FAB]  }
0x29: {  	s4 =	sld [smem:$0x3FAD]  }
0x2a: {  	p0 =	seq.s32 s5, $0x0;
	s5 =	sld [smem:$0x3FAE]  }
0x2b: {  	s6 =	sld [smem:$0x3FAF]  }
0x2c: {  	s7 =	sld [smem:$0x3FB0]  }
0x2d: {  	s3 =	simm.s32 $0x108;
	s8 =	sld [smem:$0x3FB1]  }
0x2e: {  	s3 =	simm.s32 @!p0 $0x1082;
	s9 =	sld [smem:$0x3FB2]  }
0x2f: {  	lr =	sadd.s32 s0, s3;
	s0 =	sld [smem:$0x3FA9]  }
0x30: {  	s3 =	sld [smem:$0x3FAC]  }
0x31: {  	[smem:$0x3FB5] =	sst s10  }
0x32: {  	s10 =	sld [smem:$0x3FB3];
	_ =	sdelay $0x3  }
0x33: {  	p0 =	seq.s32 s10, $0x1;
	s10 =	sld [smem:$0x3FB5];
	_ =	sdelay $0x3  }
0x34: {  	[smem:$0x3FB5] =	sst s10  }
0x35: {  	s10 =	sld [smem:$0x3FB4];
	_ =	sdelay $0x3  }
0x36: {  	p1 =	seq.s32 s10, $0x1;
	s10 =	sld [smem:$0x3FB5];
	_ =	sdelay $0x3  }
0x37: {  	[smem:$0x3FB5] =	sst s10  }
0x38: {  	s10 =	sld [smem:$0x3FB6]  }
0x39: {  	_ = 	snop;
	(pc) =	sbr.ind lr, $3  }
0x3a: {  	_ = 	snop  }
0x3b: {  	_ = 	snop  }
0x3c: {  	p2 =	seq.s32 s10, $0x1;
	s10 =	sld [smem:$0x3FB5]  }
0x3d: {  	_ =	shalt  }
0x3e: {  	_ =	shalt  }
0x3f: {  	_ =	shalt  }
0x40: {  	_ =	shalt  }
0x41: {  	_ =	shalt  }
0x42: {  	_ =	shalt  }
0x43: {  	_ =	shalt  }
0x44: {  	_ =	shalt  }
0x45: {  	_ =	shalt  }
0x46: {  	_ =	shalt  }
0x47: {  	_ =	shalt  }
0x48: {  	_ =	shalt  }
0x49: {  	_ =	shalt  }
0x4a: {  	_ =	shalt  }
0x4b: {  	_ =	shalt  }
0x4c: {  	_ =	shalt  }
0x4d: {  	_ =	shalt  }
0x4e: {  	_ =	shalt  }
0x4f: {  	_ =	shalt  }
0x50: {  	_ =	shalt  }
0x51: {  	_ =	shalt  }
0x52: {  	_ =	shalt  }
0x53: {  	_ =	shalt  }
0x54: {  	_ =	shalt  }
0x55: {  	_ =	shalt  }
0x56: {  	_ =	shalt  }
0x57: {  	_ =	shalt  }
0x58: {  	_ =	shalt  }
0x59: {  	_ =	shalt  }
0x5a: {  	_ =	shalt  }
0x5b: {  	_ =	shalt  }
0x5c: {  	_ =	shalt  }
0x5d: {  	_ =	shalt  }
0x5e: {  	_ =	shalt  }
0x5f: {  	_ =	shalt  }
0x60: {  	_ =	shalt  }
0x61: {  	_ =	shalt  }
0x62: {  	_ =	shalt  }
0x63: {  	_ =	shalt  }
0x64: {  	_ =	shalt  }
0x65: {  	_ =	shalt  }
0x66: {  	_ =	shalt  }
0x67: {  	_ =	shalt  }
0x68: {  	_ =	shalt  }
0x69: {  	_ =	shalt  }
0x6a: {  	_ =	shalt  }
0x6b: {  	_ =	shalt  }
0x6c: {  	_ =	shalt  }
0x6d: {  	_ =	shalt  }
0x6e: {  	_ =	shalt  }
0x6f: {  	_ =	shalt  }
0x70: {  	_ =	shalt  }
0x71: {  	_ =	shalt  }
0x72: {  	_ =	shalt  }
0x73: {  	_ =	shalt  }
0x74: {  	_ =	shalt  }
0x75: {  	_ =	shalt  }
0x76: {  	_ =	shalt  }
0x77: {  	_ =	shalt  }
0x78: {  	_ =	shalt  }
0x79: {  	_ =	shalt  }
0x7a: {  	_ =	shalt  }
0x7b: {  	_ =	shalt  }
0x7c: {  	_ =	shalt  }
0x7d: {  	_ =	shalt  }
0x7e: {  	_ =	shalt  }
0x7f: {  	_ =	shalt  }
0x80: {  	_ =	shalt  }
0x81: {  	_ =	shalt  }
0x82: {  	_ =	shalt  }
0x83: {  	_ =	shalt  }
0x84: {  	_ =	shalt  }
0x85: {  	_ =	shalt  }
0x86: {  	_ =	shalt  }
0x87: {  	_ =	shalt  }
.Lfunc_end0:
.L_simem_size_0:
called_computation.1_lowered:
.L_overlay_start_0:
0x88: {  	s2 =	sld [smem:$0x3FD9]  }
0x89: {  	s3 =	sld [smem:$0x3FFE];
	_ =	sdelay $0x1  }
0x8a: {  	s1 =	srdreg.scid  }
0x8b: {  	s0 =	sand.u32 $0x1, s1  }
0x8c: {  	s16 =	sshll.u32 s0, $0xA;
	s2 =	sadd.s32 s3, s2  }
0x8d: {  	s2 =	sadd.s32 s2, s16  }
0x8e: {  	[smem:$0x3FC1] =	sst s2  }
0x8f: {  	_ = 	snop  }
0x90: {  	(tm) =	ssettm $0x1  }
0x91: {  	s17 =	sld [smem:$0x3FFB];
	_ =	sdelay $0x3  }
0x92: {  	_ =	strace s17  }
0x93: {  	s2 =	sld [smem:$0x3FFC];
	_ =	sdelay $0x3  }
0x94: {  	_ =	strace s2  }
0x95: {  	s2 =	sld [smem:$0x3FFD];
	_ =	sdelay $0x3  }
0x96: {  	_ =	strace s2  }
0x97: {  	_ =	strace $0x8FFFFFFF  }
0x98: {  	s18 =	sld [smem:$0x3FDB];
	_ =	sdelay $0x1  }
0x99: {  	s19 =	simm.s32 $_scs_section_size  }
0x9a: {  	s4 =	simm.s32 $_size__tile_overlayer_lowered;
	s5 =	simm.s32 $_tile_overlayer_lowered  }
0x9b: {  	s22 =	simm.s32 $0x1BFF;
	s21 =	sshll.u32 s5, $0x1;
	s2 =	sadd.s32 s19, s18  }
0x9c: {  	s6 =	simm.s32 $0x0;
	s20 =	sshll.u32 s4, $0x1;
	s4 =	sadd.s32 s21, s2  }
0x9d: {  	[timem:s6], [sflag:s22] =	dma.local [hbm:s4], s20  }
0x9e: {  	_ =	swait.ge [sflag:s22], s20  }
0x9f: {  	s3 =	ssub.s32 $0x0, s20;
	[sflag:s22] =	ssyncset.done $0x0  }
0xa0: {  	[sflag:s22] =	ssyncadd.s32 s3;
	_ =	sdelay $0x1  }
0xa1: {  	s23 =	simm.s32 $0x1B8B  }
0xa2: {  	_ =	swait.ge [sflag:s23], $0x1  }
0xa3: {  	[sflag:s23] =	ssyncset.done $0x0  }
0xa4: {  	s25 =	simm.s32 $0x1B8E;
	s24 =	sld [smem:$0x3FFE];
	[sflag:s23] =	ssyncadd.s32 $0xFFFFFFFF  }
0xa5: {  	s26 =	simm.s32 $execute0_lowered;
	[smem:$0x3FD2] =	sst s25  }
0xa6: {  	s4 =	sshll.u32 s26, $0x1;
	_ =	strace $0x80000046;
	[dreg:$0x1] =	wrdreg $0xFFFFFFFF  }
0xa7: {  	s28 =	simm.s32 $_size_execute0_lowered;
	s2 =	sadd.s32 s2, s4;
	[dreg:$0x0] =	wrdreg $0x0  }
0xa8: {  	s4 =	sshll.u32 s28, $0x1;
	[dreg:$0x2] =	wrdreg s2  }
0xa9: {  	[dreg:$0x3] =	wrdreg s4  }
0xaa: {  	[dreg:$0x4] =	wrdreg $0xC0  }
0xab: {  	_ =	task [dreg:s6], $0x5FFFF  }
0xac: {  	[dreg:$0x1] =	wrdreg $0xFFFFFFFF  }
0xad: {  	[dreg:$0x0] =	wrdreg $0x60  }
0xae: {  	[dreg:$0x2] =	wrdreg s24  }
0xaf: {  	[dreg:$0x3] =	wrdreg $0xA  }
0xb0: {  	_ =	task.clear_ibuf [dreg:s6], $0x4FFFF;
	_ =	strace $0x90000046  }
0xb1: {  	s29 =	simm.s32 $0xA;
	_ =	strace $0x80000048  }
0xb2: {  	_ =	swait.ge [sflag:s29], $0x1  }
0xb3: {  	[sflag:s29] =	ssyncadd.s32 $0xFFFFFFFF  }
0xb4: {  	_ =	strace $0x90000048  }
0xb5: {  	_ =	sfence  }
0xb6: {  	s30 =	sld [smem:$0x0];
	_ =	sdelay $0x2  }
0xb7: {  	s31 =	sshll.u32 s1, $0xD;
	s1 =	sshrl.u32 s1, $0x2  }
0xb8: {  	s3 =	sand.u32 $0x4000, s31;
	s1 =	sadd.s32 s1, s30  }
0xb9: {  	s0 =	sor.u32 s3, s0;
	s1 =	sshll.u32 s1, $0x11  }
0xba: {  	s0 =	sor.u32 s1, s0  }
0xbb: {  	s0 =	sadd.s32 $0x8F2B, s0  }
0xbc: {  	[sflag:s0] =	ssyncadd.remote.s32 $0x1  }
0xbd: {  	_ =	sfence.sel $0xFFFF  }
0xbe: {  	[dreg:$0x0] =	wrdreg $0xFFFFFFFF;
	(pc) =	sbr.abs _section_cstart, $3  }
0xbf: {  	[dreg:$0x1] =	wrdreg $0xFFFFFFFF  }
0xc0: {  	_ =	task.clear_ibuf [dreg:s6], $0x2FFFF;
	_ =	strace $0x9FFFFFFF  }
0xc1: {  	(tm) =	ssettm $0x7FFFFFFF  }
tec
execute0_lowered:
.L_overlay_start_1:
0x0: {  	(tag) =	ssettag $0x1  }
0x1: {  	s5 =	rddreg [dreg:$0x0]  }
0x2: {  	s0 =	rddreg [dreg:$0x1];
	s2 =	simm.s32 $0x0;
	s3 =	srdreg.scid  }
0x3: {  	s1 =	stileid.u32;
	s10 =	simm.s32 $0x1;
	s11 =	simm.s32 $0x2  }
0x4: {  	s12 =	simm.s32 $0x1620;
	s13 =	simm.s32 $0x0;
	[smem:$0x7FF] =	sst s2  }
0x5: {  	s3 =	sand.u32 $0x1, s3;
	s4 =	sshll.u32 s1, $0x1;
	_ =	strace $0x80000047  }
0x6: {  	s4 =	sor.u32 s3, s4;
	s8 =	ssub.s32 $0x2, s3;
	s3 =	sadd.s32 $0x2000, s5  }
0x7: {  	s6 =	sshll.u32 s4, $0x3;
	s7 =	smul.u32 $0x15E, s4;
	s9 =	sshrl.u32 s8, $0x1  }
0x8: {  	s4 =	sadd.s32 $0x2FD000, s5;
	s6 =	sadd.s32 s6, s5;
	s8 =	ssub.s32 s8, s9  }
0x9: {  	s9 =	simm.s32 $0x70;
	s7 =	sadd.s32 s7, s5;
	s5 =	sadd.s32 $0x1E00, s6  }
0xa: {  	v0 =	vlaneseq.u32;
	s6 =	sadd.s32 $0x303200, s7;
	s7 =	smax.u32 s8, $0x1;
	s8 =	simm.s32 $0x3  }
.LBB2_1:
0xb: {  	s14 =	simm.s32 $0x0  }
0xc: {  	v1 =	vor.u32 s14, v0  }
0xd: {  	v2 =	vmul.u32 $0x51F, v1;
	_ =	sdelay $0x1  }
0xe: {  	v2 =	vshrl.u32 v2, $0x10  }
0xf: {  	v3 =	vmul.u32 $0xFFFFFFCE, v2;
	_ =	sdelay $0x1  }
0x10: {  	v1 =	vadd.s32 v1, v3  }
0x11: {  	[tilespmem:s2], [sflag:$0x3] =	stream.linear.gather [hbm4b:s5+s2], $0x40, $0x38;
	[tilespmem:$0x2110] =	vst v63  }
0x12: {  	s25 =	simm.s32 $0x10;
	_ =	swait.ge [sflag:s8], $0x40  }
0x13: {  	[sflag:s8] =	ssyncset.done $0x0;
	v3 =	vor.u32 s25, v0  }
0x14: {  	[sflag:s8] =	ssyncadd.s32 $0xFFFFFFC0;
	v4 =	vmul.u32 $0x51F, v3  }
0x15: {  	v1 =	vld.idx.msk [tilespmem:v1+s2+$0x0], $0xffff  }
0x16: {  	v4 =	vshrl.u32 v4, $0x10  }
0x17: {  	v2 =	vld.idx.msk [tilespmem:v2+s2+$0x0], $0xffff;
	v5 =	vmul.u32 $0xFFFFFFCE, v4;
	_ =	sdelay $0x1  }
0x18: {  	v3 =	vadd.s32 v3, v5  }
0x19: {  	v1 =	vmul.u32 $0x1388, v1  }
0x1a: {  	s15 =	simm.s32 $0x20  }
0x1b: {  	s14 =	simm.s32 $0x40;
	v1 =	vadd.s32 v2, v1;
	v2 =	vor.u32 s15, v0  }
0x1c: {  	[tilespmem:s14+$0x0] =	vst v1;
	v1 =	vmul.u32 $0x51F, v2  }
0x1d: {  	v3 =	vld.idx.msk [tilespmem:v3+s2+$0x0], $0xffff  }
0x1e: {  	v1 =	vshrl.u32 v1, $0x10  }
0x1f: {  	v4 =	vld.idx.msk [tilespmem:v4+s2+$0x0], $0xffff;
	v55 =	vmul.u32 $0xFFFFFFCE, v1;
	_ =	sdelay $0x1  }
0x20: {  	v2 =	vadd.s32 v2, v55  }
0x21: {  	v3 =	vmul.u32 $0x1388, v3  }
0x22: {  	s26 =	simm.s32 $0x30  }
0x23: {  	v56 =	vor.u32 s26, v0;
	v3 =	vadd.s32 v4, v3  }
0x24: {  	[tilespmem:s14+$0x10] =	vst v3;
	v3 =	vmul.u32 $0x51F, v56  }
0x25: {  	v2 =	vld.idx.msk [tilespmem:v2+s2+$0x0], $0xffff  }
0x26: {  	v3 =	vshrl.u32 v3, $0x10  }
0x27: {  	v1 =	vld.idx.msk [tilespmem:v1+s2+$0x0], $0xffff;
	v57 =	vmul.u32 $0xFFFFFFCE, v3;
	_ =	sdelay $0x1  }
0x28: {  	v4 =	vadd.s32 v56, v57  }
0x29: {  	v2 =	vmul.u32 $0x1388, v2  }
0x2a: {  	s28 =	simm.s32 $0x40  }
0x2b: {  	v1 =	vadd.s32 v1, v2;
	v2 =	vor.u32 s28, v0  }
0x2c: {  	[tilespmem:s14+$0x20] =	vst v1;
	v1 =	vmul.u32 $0x51F, v2  }
0x2d: {  	v4 =	vld.idx.msk [tilespmem:v4+s2+$0x0], $0xffff  }
0x2e: {  	v1 =	vshrl.u32 v1, $0x10  }
0x2f: {  	v3 =	vld.idx.msk [tilespmem:v3+s2+$0x0], $0xffff;
	v58 =	vmul.u32 $0xFFFFFFCE, v1;
	_ =	sdelay $0x1  }
0x30: {  	v2 =	vadd.s32 v2, v58  }
0x31: {  	v4 =	vmul.u32 $0x1388, v4  }
0x32: {  	s29 =	simm.s32 $0x50  }
0x33: {  	v59 =	vor.u32 s29, v0;
	v3 =	vadd.s32 v3, v4  }
0x34: {  	[tilespmem:s14+$0x30] =	vst v3;
	v3 =	vmul.u32 $0x51F, v59  }
0x35: {  	v2 =	vld.idx.msk [tilespmem:v2+s2+$0x0], $0xffff  }
0x36: {  	v3 =	vshrl.u32 v3, $0x10  }
0x37: {  	v1 =	vld.idx.msk [tilespmem:v1+s2+$0x0], $0xffff;
	v60 =	vmul.u32 $0xFFFFFFCE, v3;
	_ =	sdelay $0x1  }
0x38: {  	v4 =	vadd.s32 v59, v60  }
0x39: {  	v2 =	vmul.u32 $0x1388, v2  }
0x3a: {  	s30 =	simm.s32 $0x60  }
0x3b: {  	v1 =	vadd.s32 v1, v2;
	v2 =	vor.u32 s30, v0  }
0x3c: {  	[tilespmem:s14+$0x40] =	vst v1;
	v1 =	vmul.u32 $0x51F, v2  }
0x3d: {  	v4 =	vld.idx.msk [tilespmem:v4+s2+$0x0], $0xffff  }
0x3e: {  	v1 =	vshrl.u32 v1, $0x10  }
0x3f: {  	v3 =	vld.idx.msk [tilespmem:v3+s2+$0x0], $0xffff;
	v61 =	vmul.u32 $0xFFFFFFCE, v1;
	_ =	sdelay $0x1  }
0x40: {  	v2 =	vadd.s32 v2, v61  }
0x41: {  	v4 =	vmul.u32 $0x1388, v4;
	_ =	sdelay $0x1  }
0x42: {  	v3 =	vadd.s32 v3, v4  }
0x43: {  	[tilespmem:s14+$0x50] =	vst v3  }
0x44: {  	s31 =	simm.s32 $0x70;
	v2 =	vld.idx.msk [tilespmem:v2+s2+$0x0], $0xffff  }
0x45: {  	v3 =	vor.u32 s31, v0  }
0x46: {  	v62 =	vld.idx.msk [tilespmem:v1+s2+$0x0], $0xffff;
	v1 =	vmul.u32 $0x51F, v3;
	_ =	sdelay $0x1  }
0x47: {  	v1 =	vshrl.u32 v1, $0x10  }
0x48: {  	v63 =	vmul.u32 $0xFFFFFFCE, v1;
	v2 =	vmul.u32 $0x1388, v2;
	_ =	sdelay $0x1  }
0x49: {  	s19 =	simm.s32 $0xB30;
	v4 =	vadd.s32 v62, v2;
	v2 =	vadd.s32 v3, v63  }
0x4a: {  	s18 =	simm.s32 $0xD0;
	s20 =	simm.s32 $0x140;
	s21 =	simm.s32 $0x80  }
0x4b: {  	s16 =	simm.s32 $0xB0;
	s17 =	simm.s32 $0x0;
	s15 =	simm.s32 $0xBA0;
	[tilespmem:s14+$0x60] =	vst v4  }
.LBB2_2:
0x4c: {  	[tilespmem:s19], [sflag:$0x1] =	stream.indirect.gather [hbm4b:s3+s9], $0x1, s14, s9, $0xb8;
	[tilespmem:$0x2110] =	vst v63  }
0x4d: {  	v3 =	vor.u32 s21, v0;
	s22 =	smov.u32 s20;
	s19 =	smov.u32 s15;
	s14 =	smov.u32 s16  }
0x4e: {  	s21 =	simm.s32 $0x0;
	p0 =	sne.s32 s20, $0xAE0;
	s20 =	sadd.s32 $0x70, s20;
	v2 =	vld.idx.msk [tilespmem:v2+s17+$0x0], $0xffff;
	v4 =	vmul.u32 $0x51F, v3  }
0x4f: {  	_ = 	snop  }
0x50: {  	v1 =	vld.idx.msk [tilespmem:v1+s17+$0x0], $0xffff;
	v4 =	vshrl.u32 v4, $0x10  }
0x51: {  	v5 =	vmul.u32 $0xFFFFFFCE, v4;
	_ =	sdelay $0x1  }
0x52: {  	v3 =	vadd.s32 v3, v5  }
0x53: {  	v2 =	vmul.u32 $0x1388, v2;
	_ =	sdelay $0x1  }
0x54: {  	s23 =	sadd.s32 $0xFFFFFFC0, s18;
	v1 =	vadd.s32 v1, v2  }
0x55: {  	[tilespmem:s16+$0x0] =	vst v1;
	v1 =	vor.u32 s23, v0  }
0x56: {  	v2 =	vld.idx.msk [tilespmem:v3+s17+$0x0], $0xffff;
	v3 =	vmul.u32 $0x51F, v1;
	_ =	sdelay $0x1  }
0x57: {  	v4 =	vld.idx.msk [tilespmem:v4+s17+$0x0], $0xffff;
	v3 =	vshrl.u32 v3, $0x10  }
0x58: {  	v5 =	vmul.u32 $0xFFFFFFCE, v3;
	_ =	sdelay $0x1  }
0x59: {  	v1 =	vadd.s32 v1, v5  }
0x5a: {  	v2 =	vmul.u32 $0x1388, v2;
	_ =	sdelay $0x1  }
0x5b: {  	s23 =	sadd.s32 $0xFFFFFFD0, s18;
	v2 =	vadd.s32 v4, v2  }
0x5c: {  	[tilespmem:s16+$0x10] =	vst v2;
	v2 =	vor.u32 s23, v0  }
0x5d: {  	v1 =	vld.idx.msk [tilespmem:v1+s17+$0x0], $0xffff;
	v4 =	vmul.u32 $0x51F, v2;
	_ =	sdelay $0x1  }
0x5e: {  	v3 =	vld.idx.msk [tilespmem:v3+s17+$0x0], $0xffff;
	v4 =	vshrl.u32 v4, $0x10  }
0x5f: {  	v5 =	vmul.u32 $0xFFFFFFCE, v4;
	_ =	sdelay $0x1  }
0x60: {  	v2 =	vadd.s32 v2, v5  }
0x61: {  	v1 =	vmul.u32 $0x1388, v1;
	_ =	sdelay $0x1  }
0x62: {  	s23 =	sadd.s32 $0xFFFFFFE0, s18;
	v1 =	vadd.s32 v3, v1  }
0x63: {  	[tilespmem:s16+$0x20] =	vst v1;
	v1 =	vor.u32 s23, v0  }
0x64: {  	v2 =	vld.idx.msk [tilespmem:v2+s17+$0x0], $0xffff;
	v3 =	vmul.u32 $0x51F, v1;
	_ =	sdelay $0x1  }
0x65: {  	v4 =	vld.idx.msk [tilespmem:v4+s17+$0x0], $0xffff;
	v3 =	vshrl.u32 v3, $0x10  }
0x66: {  	v5 =	vmul.u32 $0xFFFFFFCE, v3;
	_ =	sdelay $0x1  }
0x67: {  	v1 =	vadd.s32 v1, v5  }
0x68: {  	v2 =	vmul.u32 $0x1388, v2;
	_ =	sdelay $0x1  }
0x69: {  	s23 =	sadd.s32 $0xFFFFFFF0, s18;
	v2 =	vadd.s32 v4, v2  }
0x6a: {  	[tilespmem:s16+$0x30] =	vst v2;
	v2 =	vor.u32 s23, v0  }
0x6b: {  	v1 =	vld.idx.msk [tilespmem:v1+s17+$0x0], $0xffff;
	v4 =	vmul.u32 $0x51F, v2;
	_ =	sdelay $0x1  }
0x6c: {  	v3 =	vld.idx.msk [tilespmem:v3+s17+$0x0], $0xffff;
	v4 =	vshrl.u32 v4, $0x10  }
0x6d: {  	v5 =	vmul.u32 $0xFFFFFFCE, v4;
	_ =	sdelay $0x1  }
0x6e: {  	v2 =	vadd.s32 v2, v5  }
0x6f: {  	v1 =	vmul.u32 $0x1388, v1;
	_ =	sdelay $0x1  }
0x70: {  	v1 =	vadd.s32 v3, v1  }
0x71: {  	[tilespmem:s16+$0x40] =	vst v1;
	v1 =	vor.u32 s18, v0;
	s18 =	smov.u32 s22  }
0x72: {  	v2 =	vld.idx.msk [tilespmem:v2+s17+$0x0], $0xffff;
	v3 =	vmul.u32 $0x51F, v1  }
0x73: {  	v4 =	vld.idx.msk [tilespmem:v4+s17+$0x0], $0xffff  }
0x74: {  	v3 =	vshrl.u32 v3, $0x10  }
0x75: {  	v5 =	vmul.u32 $0xFFFFFFCE, v3;
	_ =	sdelay $0x1  }
0x76: {  	v1 =	vadd.s32 v1, v5  }
0x77: {  	v2 =	vmul.u32 $0x1388, v2;
	_ =	sdelay $0x1  }
0x78: {  	v2 =	vadd.s32 v4, v2  }
0x79: {  	s22 =	sadd.s32 $0xFFFFFFA0, s18;
	[tilespmem:s16+$0x50] =	vst v2  }
0x7a: {  	v2 =	vor.u32 s22, v0;
	v4 =	vld.idx.msk [tilespmem:v1+s17+$0x0], $0xffff  }
0x7b: {  	v1 =	vmul.u32 $0x51F, v2;
	v3 =	vld.idx.msk [tilespmem:v3+s17+$0x0], $0xffff;
	s17 =	smov.u32 s21;
	_ =	sdelay $0x1  }
0x7c: {  	v1 =	vshrl.u32 v1, $0x10  }
0x7d: {  	v5 =	vmul.u32 $0xFFFFFFCE, v1  }
.Ltmp0:
0x7e: {  	(pc) =	sbr.rel @p0 .LBB2_2-.Ltmp0, $3  }
0x7f: {  	v2 =	vadd.s32 v2, v5;
	v4 =	vmul.u32 $0x1388, v4;
	_ =	sdelay $0x1  }
0x80: {  	v3 =	vadd.s32 v3, v4  }
0x81: {  	s15 =	sadd.s32 $0x70, s15;
	s16 =	sadd.s32 $0x70, s16;
	s21 =	sadd.s32 $0xFFFFFFB0, s18;
	[tilespmem:s14+$0x60] =	vst v3  }
0x82: {  	_ =	sdelay $0x1  }
0x83: {  	v3 =	vor.u32 s21, v0  }
0x84: {  	[tilespmem:s19], [sflag:$0x1] =	stream.indirect.gather [hbm4b:s3+s9], $0x1, s14, s9, $0xb8;
	v4 =	vmul.u32 $0x51F, v3;
	[tilespmem:$0x2110] =	vst v63  }
0x85: {  	v2 =	vld.idx.msk [tilespmem:v2+s17+$0x0], $0xffff  }
0x86: {  	v4 =	vshrl.u32 v4, $0x10  }
0x87: {  	v1 =	vld.idx.msk [tilespmem:v1+s17+$0x0], $0xffff;
	v5 =	vmul.u32 $0xFFFFFFCE, v4;
	_ =	sdelay $0x1  }
0x88: {  	v3 =	vadd.s32 v3, v5  }
0x89: {  	v2 =	vmul.u32 $0x1388, v2  }
0x8a: {  	s28 =	sadd.s32 $0xFFFFFFC0, s18  }
0x8b: {  	v1 =	vadd.s32 v1, v2;
	v2 =	vor.u32 s28, v0  }
0x8c: {  	[tilespmem:s16+$0x0] =	vst v1;
	v1 =	vmul.u32 $0x51F, v2  }
0x8d: {  	v3 =	vld.idx.msk [tilespmem:v3+s17+$0x0], $0xffff  }
0x8e: {  	v1 =	vshrl.u32 v1, $0x10  }
0x8f: {  	v4 =	vld.idx.msk [tilespmem:v4+s17+$0x0], $0xffff;
	v57 =	vmul.u32 $0xFFFFFFCE, v1;
	_ =	sdelay $0x1  }
0x90: {  	v2 =	vadd.s32 v2, v57  }
0x91: {  	v3 =	vmul.u32 $0x1388, v3  }
0x92: {  	s29 =	sadd.s32 $0xFFFFFFD0, s18  }
0x93: {  	v58 =	vor.u32 s29, v0;
	v3 =	vadd.s32 v4, v3  }
0x94: {  	[tilespmem:s16+$0x10] =	vst v3;
	v3 =	vmul.u32 $0x51F, v58  }
0x95: {  	v2 =	vld.idx.msk [tilespmem:v2+s17+$0x0], $0xffff  }
0x96: {  	v3 =	vshrl.u32 v3, $0x10  }
0x97: {  	v1 =	vld.idx.msk [tilespmem:v1+s17+$0x0], $0xffff;
	v59 =	vmul.u32 $0xFFFFFFCE, v3;
	_ =	sdelay $0x1  }
0x98: {  	v4 =	vadd.s32 v58, v59  }
0x99: {  	v2 =	vmul.u32 $0x1388, v2  }
0x9a: {  	s30 =	sadd.s32 $0xFFFFFFE0, s18  }
0x9b: {  	v1 =	vadd.s32 v1, v2;
	v2 =	vor.u32 s30, v0  }
0x9c: {  	[tilespmem:s16+$0x20] =	vst v1;
	v1 =	vmul.u32 $0x51F, v2  }
0x9d: {  	v4 =	vld.idx.msk [tilespmem:v4+s17+$0x0], $0xffff  }
0x9e: {  	v1 =	vshrl.u32 v1, $0x10  }
0x9f: {  	v3 =	vld.idx.msk [tilespmem:v3+s17+$0x0], $0xffff;
	v60 =	vmul.u32 $0xFFFFFFCE, v1;
	_ =	sdelay $0x1  }
0xa0: {  	v2 =	vadd.s32 v2, v60  }
0xa1: {  	v4 =	vmul.u32 $0x1388, v4  }
0xa2: {  	s31 =	sadd.s32 $0xFFFFFFF0, s18  }
0xa3: {  	v61 =	vor.u32 s31, v0;
	v3 =	vadd.s32 v3, v4  }
0xa4: {  	[tilespmem:s16+$0x30] =	vst v3;
	v3 =	vmul.u32 $0x51F, v61  }
0xa5: {  	v2 =	vld.idx.msk [tilespmem:v2+s17+$0x0], $0xffff  }
0xa6: {  	v3 =	vshrl.u32 v3, $0x10  }
0xa7: {  	v1 =	vld.idx.msk [tilespmem:v1+s17+$0x0], $0xffff;
	v62 =	vmul.u32 $0xFFFFFFCE, v3;
	_ =	sdelay $0x1  }
0xa8: {  	v4 =	vadd.s32 v61, v62  }
0xa9: {  	v2 =	vmul.u32 $0x1388, v2;
	_ =	sdelay $0x1  }
0xaa: {  	v1 =	vadd.s32 v1, v2;
	v2 =	vor.u32 s18, v0  }
0xab: {  	[tilespmem:s16+$0x40] =	vst v1;
	v1 =	vmul.u32 $0x51F, v2  }
0xac: {  	v4 =	vld.idx.msk [tilespmem:v4+s17+$0x0], $0xffff  }
0xad: {  	v1 =	vshrl.u32 v1, $0x10  }
0xae: {  	v3 =	vld.idx.msk [tilespmem:v3+s17+$0x0], $0xffff;
	v63 =	vmul.u32 $0xFFFFFFCE, v1;
	_ =	sdelay $0x1  }
0xaf: {  	v2 =	vadd.s32 v2, v63  }
0xb0: {  	v4 =	vmul.u32 $0x1388, v4;
	_ =	sdelay $0x1  }
0xb1: {  	v3 =	vadd.s32 v3, v4  }
0xb2: {  	[tilespmem:s16+$0x50] =	vst v3  }
0xb3: {  	v2 =	vld.idx.msk [tilespmem:v2+s17+$0x0], $0xffff;
	_ =	sdelay $0x1  }
0xb4: {  	v1 =	vld.idx.msk [tilespmem:v1+s17+$0x0], $0xffff;
	_ =	sdelay $0x2  }
0xb5: {  	v2 =	vmul.u32 $0x1388, v2;
	_ =	sdelay $0x1  }
0xb6: {  	v1 =	vadd.s32 v1, v2  }
0xb7: {  	[tilespmem:s16+$0x60] =	vst v1  }
0xb8: {  	[tilespmem:s15], [sflag:$0x1] =	stream.indirect.gather [hbm4b:s3+s9], $0x1, s16, s9, $0xb8;
	[tilespmem:$0x2110] =	vst v63  }
0xb9: {  	_ =	swait.ge [sflag:s10], $0x70  }
0xba: {  	s14 =	simm.s32 $0x1C0;
	[sflag:s10] =	ssyncset.done $0x0  }
0xbb: {  	s15 =	simm.s32 $0x1620;
	s16 =	simm.s32 $0xB30;
	[sflag:s10] =	ssyncadd.s32 $0xFFFFFF90  }
.LBB2_4:
0xbc: {  	[tilespmem:s15], [sflag:$0x2] =	stream.indirect.gather [hbm4b:s4+s9], $0x1, s16, s9, $0xb8;
	[tilespmem:$0x2110] =	vst v63  }
0xbd: {  	s15 =	smov.u32 s14;
	p0 =	sne.s32 s14, $0x2A00  }
.Ltmp1:
0xbe: {  	s14 =	sadd.s32 $0x1C0, s14;
	(pc) =	sbr.rel @p0 .LBB2_4-.Ltmp1, $4  }
0xbf: {  	_ = 	snop  }
0xc0: {  	_ =	swait.ge [sflag:s10], $0x70  }
0xc1: {  	s16 =	sshra.s32 s15, $0x2;
	[sflag:s10] =	ssyncset.done $0x0  }
0xc2: {  	s15 =	sadd.s32 $0x1620, s16;
	s16 =	sadd.s32 $0xB30, s16;
	[sflag:s10] =	ssyncadd.s32 $0xFFFFFF90  }
0xc3: {  	[tilespmem:s15], [sflag:$0x2] =	stream.indirect.gather [hbm4b:s4+s9], $0x1, s16, s9, $0xb8;
	[tilespmem:$0x2110] =	vst v63  }
0xc4: {  	_ =	swait.ge [sflag:s11], $0x70  }
0xc5: {  	[sflag:s11] =	ssyncset.done $0x0  }
0xc6: {  	[sflag:s11] =	ssyncadd.s32 $0xFFFFFF90  }
0xc7: {  	_ =	swait.ge [sflag:s11], $0x70  }
0xc8: {  	[sflag:s11] =	ssyncset.done $0x0  }
0xc9: {  	[sflag:s11] =	ssyncadd.s32 $0xFFFFFF90  }
0xca: {  	_ =	swait.ge [sflag:s11], $0x70  }
0xcb: {  	[sflag:s11] =	ssyncset.done $0x0  }
0xcc: {  	[sflag:s11] =	ssyncadd.s32 $0xFFFFFF90  }
0xcd: {  	_ =	swait.ge [sflag:s11], $0x70  }
0xce: {  	[sflag:s11] =	ssyncset.done $0x0  }
0xcf: {  	[sflag:s11] =	ssyncadd.s32 $0xFFFFFF90  }
0xd0: {  	_ =	swait.ge [sflag:s11], $0x70  }
0xd1: {  	[sflag:s11] =	ssyncset.done $0x0  }
0xd2: {  	[sflag:s11] =	ssyncadd.s32 $0xFFFFFF90  }
0xd3: {  	_ =	swait.ge [sflag:s11], $0x70  }
0xd4: {  	[sflag:s11] =	ssyncset.done $0x0  }
0xd5: {  	[sflag:s11] =	ssyncadd.s32 $0xFFFFFF90  }
0xd6: {  	_ =	swait.ge [sflag:s11], $0x70  }
0xd7: {  	[sflag:s11] =	ssyncset.done $0x0  }
0xd8: {  	[sflag:s11] =	ssyncadd.s32 $0xFFFFFF90  }
0xd9: {  	_ =	swait.ge [sflag:s11], $0x70  }
0xda: {  	[sflag:s11] =	ssyncset.done $0x0  }
0xdb: {  	[sflag:s11] =	ssyncadd.s32 $0xFFFFFF90  }
0xdc: {  	_ =	swait.ge [sflag:s11], $0x70  }
0xdd: {  	[sflag:s11] =	ssyncset.done $0x0  }
0xde: {  	[sflag:s11] =	ssyncadd.s32 $0xFFFFFF90  }
0xdf: {  	_ =	swait.ge [sflag:s11], $0x70  }
0xe0: {  	[sflag:s11] =	ssyncset.done $0x0  }
0xe1: {  	[sflag:s11] =	ssyncadd.s32 $0xFFFFFF90  }
0xe2: {  	_ =	swait.ge [sflag:s11], $0x70  }
0xe3: {  	[sflag:s11] =	ssyncset.done $0x0  }
0xe4: {  	[sflag:s11] =	ssyncadd.s32 $0xFFFFFF90  }
0xe5: {  	_ =	swait.ge [sflag:s11], $0x70  }
0xe6: {  	[sflag:s11] =	ssyncset.done $0x0  }
0xe7: {  	[sflag:s11] =	ssyncadd.s32 $0xFFFFFF90  }
0xe8: {  	_ =	swait.ge [sflag:s11], $0x70  }
0xe9: {  	[sflag:s11] =	ssyncset.done $0x0  }
0xea: {  	[sflag:s11] =	ssyncadd.s32 $0xFFFFFF90  }
0xeb: {  	_ =	swait.ge [sflag:s11], $0x70  }
0xec: {  	[sflag:s11] =	ssyncset.done $0x0  }
0xed: {  	[sflag:s11] =	ssyncadd.s32 $0xFFFFFF90  }
0xee: {  	_ =	swait.ge [sflag:s11], $0x70  }
0xef: {  	[sflag:s11] =	ssyncset.done $0x0  }
0xf0: {  	[sflag:s11] =	ssyncadd.s32 $0xFFFFFF90  }
0xf1: {  	_ =	swait.ge [sflag:s11], $0x70  }
0xf2: {  	[sflag:s11] =	ssyncset.done $0x0  }
0xf3: {  	[sflag:s11] =	ssyncadd.s32 $0xFFFFFF90  }
0xf4: {  	_ =	swait.ge [sflag:s11], $0x70  }
0xf5: {  	[sflag:s11] =	ssyncset.done $0x0  }
0xf6: {  	[sflag:s11] =	ssyncadd.s32 $0xFFFFFF90  }
0xf7: {  	_ =	swait.ge [sflag:s11], $0x70  }
0xf8: {  	[sflag:s11] =	ssyncset.done $0x0  }
0xf9: {  	[sflag:s11] =	ssyncadd.s32 $0xFFFFFF90  }
0xfa: {  	_ =	swait.ge [sflag:s11], $0x70  }
0xfb: {  	[sflag:s11] =	ssyncset.done $0x0  }
0xfc: {  	[sflag:s11] =	ssyncadd.s32 $0xFFFFFF90  }
0xfd: {  	_ =	swait.ge [sflag:s11], $0x70  }
0xfe: {  	[sflag:s11] =	ssyncset.done $0x0  }
0xff: {  	[sflag:s11] =	ssyncadd.s32 $0xFFFFFF90  }
0x100: {  	_ =	swait.ge [sflag:s11], $0x70  }
0x101: {  	[sflag:s11] =	ssyncset.done $0x0  }
0x102: {  	[sflag:s11] =	ssyncadd.s32 $0xFFFFFF90  }
0x103: {  	_ =	swait.ge [sflag:s11], $0x70  }
0x104: {  	[sflag:s11] =	ssyncset.done $0x0  }
0x105: {  	[sflag:s11] =	ssyncadd.s32 $0xFFFFFF90  }
0x106: {  	_ =	swait.ge [sflag:s11], $0x70  }
0x107: {  	[sflag:s11] =	ssyncset.done $0x0  }
0x108: {  	[sflag:s11] =	ssyncadd.s32 $0xFFFFFF90  }
0x109: {  	_ =	swait.ge [sflag:s11], $0x70  }
0x10a: {  	[sflag:s11] =	ssyncset.done $0x0  }
0x10b: {  	[sflag:s11] =	ssyncadd.s32 $0xFFFFFF90  }
0x10c: {  	s13 =	sadd.s32 $0x1, s13;
	_ =	swait.ge [sflag:s11], $0x70  }
0x10d: {  	p0 =	sne.s32 s13, s7;
	[sflag:s11] =	ssyncset.done $0x0  }
.Ltmp2:
0x10e: {  	[sflag:s11] =	ssyncadd.s32 $0xFFFFFF90;
	(pc) =	sbr.rel @p0 .LBB2_1-.Ltmp2, $4  }
0x10f: {  	[hbm4b:s6+s2] =	stream.linear.scatter [tilespmem:s12], [sflag:$0x3], $0xAF0, $0x38;
	[tilespmem:$0x2110] =	vst v63  }
0x110: {  	_ =	swait.ge [sflag:s8], $0xAF0  }
0x111: {  	[sflag:s8] =	ssyncset.done $0x0  }
0x112: {  	[sflag:s8] =	ssyncadd.s32 $0xFFFFF510  }
0x113: {  	_ =	sfence.sel $0x180000  }
0x114: {  	[bflag:$0x0] =	sbarrier.arrive $0xFFFF  }
0x115: {  	p0 =	sne.s32 s1, $0x0;
	_ =	strace $0x90000047  }
0x116: {  	s0 =	sadd.s32 @!p0 $0x100000, s0;
	[bflag:$0x2] =	sbarrier.arrive $0xFFFF  }
0x117: {  	[sflag:s0] =	ssyncadd.tile.s32 @!p0 $0x1;
	_ =	shalt  }
.Lfunc_end2:
_tile_overlayer_lowered:
.L_overlay_start_2:
0x118: {  	(tag) =	ssettag $0x2  }
0x119: {  	s0 =	rddreg [dreg:$0x0];
	s2 =	stileid.u32  }
0x11a: {  	s1 =	rddreg [dreg:$0x1];
	p0 =	sne.s32 s2, $0x0  }
0x11b: {  	s3 =	rddreg [dreg:$0x2];
	[bflag:$0x3] =	sbarrier.arrive $0xFFFF;
	s2 =	simm.s32 @!p0 $0x1C03  }
0x11c: {  	[timem:s3], [sflag:s2] =	dma.local @!p0 [hbm:s0], s1  }
0x11d: {  	s0 =	simm.s32 @!p0 $0x3  }
0x11e: {  	_ =	swait.ge @!p0 [sflag:s0], s1  }
0x11f: {  	s1 =	ssub.s32 @!p0 $0x0, s1;
	[sflag:s0] =	ssyncset.done @!p0 $0x0  }
0x120: {  	[sflag:s0] =	ssyncadd.s32 @!p0 s1  }
0x121: {  	[bflag:$0x3] =	sbarrier.arrive $0xFFFF  }
0x122: {  	_ =	shalt  }

</sc_bundles>
